<compile_context>
chip_gen: v7x
topology: tpu7x:2x2x1
jax: 0.10.2.dev20260603
libtpu: 0.0.44.dev20260713+nightly
codegen_flags: <defaults>
</compile_context>

<pallas_src>
import functools

import jax
import jax.numpy as jnp
from jax import lax
from jax.experimental import pallas as pl
from jax.experimental.pallas import tpu as pltpu
from jax.experimental.pallas import tpu_sc as plsc

_NUM_WORKERS = 32
_R = 8


def _emb_kernel(x_hbm, table_hbm, out_hbm, idx_v, rows_v, gsem0, gsem1,
                isem, ssem0, ssem1, *, steps, seq_len, d):
    wid = lax.axis_index("s") * 2 + lax.axis_index("c")
    row_base = wid * (steps * _R)
    blk = _R * seq_len
    gsems = (gsem0, gsem1)
    ssems = (ssem0, ssem1)
    splits = []
    off = 0
    while off < seq_len:
        g = min(128, seq_len - off)
        splits.append((off, g))
        off += g

    def issue_gathers(b):
        for r in range(_R):
            for (o, g) in splits:
                pltpu.async_copy(
                    table_hbm.at[idx_v.at[b, r, pl.ds(o, g)]],
                    rows_v.at[b].at[pl.ds(r * seq_len + o, g)],
                    gsems[b],
                )

    def drain_gathers(b):
        pltpu.make_async_copy(
            out_hbm.at[pl.ds(0, blk)], rows_v.at[b], gsems[b]
        ).wait()

    pltpu.sync_copy(x_hbm.at[pl.ds(row_base, _R)], idx_v.at[0])

    @pl.loop(0, steps, step=2)
    def pair(i0):
        for b in range(2):
            i = i0 + b
            brow = row_base + i * _R
            nb = 1 - b

            @pl.when(i >= 1)
            def _():
                pltpu.make_async_copy(
                    x_hbm.at[pl.ds(0, _R)], idx_v.at[b], isem
                ).wait()

            @pl.when(i >= 2)
            def _():
                pltpu.make_async_copy(
                    rows_v.at[b], out_hbm.at[pl.ds(0, blk)], ssems[b]
                ).wait()

            issue_gathers(b)

            @pl.when(i >= 1)
            def _():
                drain_gathers(nb)
                pltpu.async_copy(
                    rows_v.at[nb],
                    out_hbm.at[pl.ds((brow - _R) * seq_len, blk)],
                    ssems[nb],
                )

            @pl.when(i + 1 < steps)
            def _():
                pltpu.async_copy(
                    x_hbm.at[pl.ds(brow + _R, _R)], idx_v.at[nb], isem
                )

    drain_gathers(1)
    pltpu.async_copy(
        rows_v.at[1],
        out_hbm.at[pl.ds((row_base + (steps - 1) * _R) * seq_len, blk)],
        ssems[1],
    )
    for b in range(2):
        pltpu.make_async_copy(
            rows_v.at[b], out_hbm.at[pl.ds(0, blk)], ssems[b]
        ).wait()


def kernel(x, table):
    bsz, l = x.shape
    v, d = table.shape
    assert bsz % (_NUM_WORKERS * _R) == 0
    steps = bsz // (_NUM_WORKERS * _R)
    assert steps % 2 == 0
    blk = _R * l

    mesh = plsc.VectorSubcoreMesh(core_axis_name="c", subcore_axis_name="s")
    emb = pl.kernel(
        functools.partial(_emb_kernel, steps=steps, seq_len=l, d=d),
        out_type=jax.ShapeDtypeStruct((bsz * l, d), jnp.float32),
        mesh=mesh,
        scratch_types=[
            pltpu.VMEM((2, _R, l), jnp.int32),
            pltpu.VMEM((2, blk, d), jnp.float32),
            pltpu.SemaphoreType.DMA,
            pltpu.SemaphoreType.DMA,
            pltpu.SemaphoreType.DMA,
            pltpu.SemaphoreType.DMA,
            pltpu.SemaphoreType.DMA,
        ],
        compiler_params=pltpu.CompilerParams(use_tc_tiling_on_sc=False),
    )
    assert 128 % d == 0
    stride = 128 // d
    tpad = jnp.pad(table, ((0, 0), (0, 128 - d))).reshape(v * stride, d)
    return emb((x * stride).astype(jnp.int32), tpad).reshape(bsz, l * d)

# --- scband reference (transcript-rebuilt; emitter-appended) ---
"""Pipeline reference for scband-text-mlp-16716012716520 (READ-ONLY COPY).

The authoritative reference and input builder live on the scoring server;
editing this copy changes nothing except your own understanding.
"""

import jax, jax.numpy as jnp
import numpy as np

VOCAB = 1000000
SEQ_LEN = 200
EMBED_DIM = 32  # hidden_size // 2
BATCH = 16384


def setup_inputs(seed: int = 0) -> dict:
    key = jax.random.key(seed)
    k1, k2 = jax.random.split(key)
    x = jax.random.randint(k1, (BATCH, SEQ_LEN), 0, VOCAB, dtype=jnp.int64 if jax.config.jax_enable_x64 else jnp.int32)
    table = jax.random.normal(k2, (VOCAB, EMBED_DIM), dtype=jnp.float32) * 0.02
    return {"x": x, "table": table}


def reference(x, table):
    # nn.Embedding: gather rows of table by index
    emb = jnp.take(table, x, axis=0)            # [B, L, D]
    # nn.Flatten: flatten all dims except batch
    out = emb.reshape(emb.shape[0], -1)          # [B, L*D]
    return out

if __name__ == "__main__":
    import jax
    _d = setup_inputs()
    print(jax.jit(kernel)(*tuple(_d.values())))

</pallas_src>

<mosaic_0001>
#map = affine_map<(d0, d1) -> (0, 0)>
module attributes {stable_mosaic.version = 14 : i64} {
  func.func @_emb_kernel(%arg0: i32, %arg1: i32, %arg2: memref<16384x200xi32, #tpu.memory_space<hbm>>, %arg3: memref<4000000x32xf32, #tpu.memory_space<hbm>>, %arg4: memref<3276800x32xf32, #tpu.memory_space<hbm>>, %arg5: memref<2x8x200xi32, #tpu.memory_space<vmem>>, %arg6: memref<2x1600x32xf32, #tpu.memory_space<vmem>>, %arg7: memref<!tpu.dma_semaphore, #tpu.memory_space<semaphore_mem>>, %arg8: memref<!tpu.dma_semaphore, #tpu.memory_space<semaphore_mem>>, %arg9: memref<!tpu.dma_semaphore, #tpu.memory_space<semaphore_mem>>, %arg10: memref<!tpu.dma_semaphore, #tpu.memory_space<semaphore_mem>>, %arg11: memref<!tpu.dma_semaphore, #tpu.memory_space<semaphore_mem>>) attributes {dimension_semantics = [#tpu.dimension_semantics<core_parallel>, #tpu.dimension_semantics<subcore_parallel>], iteration_bounds = array<i64: 2, 16>, scalar_prefetch = 0 : i64, scratch_operands = 7 : i64, tpu.core_type = #tpu.core_type<sc_vector_subcore>, window_params = [{transform_indices = #map}, {transform_indices = #map}, {transform_indices = #map}]} {
    %mul3A = arith.constant 2 : i32
    %mul3A_0 = arith.muli %arg1, %mul3A : i32
    %add3A = arith.addi %mul3A_0, %arg0 : i32
    %mul3A_1 = arith.constant 512 : i32
    %mul3A_2 = arith.muli %add3A, %mul3A_1 : i32
    %run_scoped3A = arith.constant 0 : i32
    "tpu.region"() ({
      %run_scoped3A_67 = tpu.sem_alloc : memref<!tpu.dma_semaphore, #tpu.memory_space<semaphore_mem>>
      %dma_start3A_68 = arith.constant 0 : i32
      %dma_start3A_69 = arith.constant 0 : i32
      %dma_start3A_70 = tpu.memref_slice %arg5[%run_scoped3A, %dma_start3A_68, %dma_start3A_69] : memref<2x8x200xi32, #tpu.memory_space<vmem>> -> memref<1x8x200xi32, #tpu.memory_space<vmem>>
      %dma_start3A_71 = tpu.memref_squeeze %dma_start3A_70 : memref<1x8x200xi32, #tpu.memory_space<vmem>> -> memref<8x200xi32, #tpu.memory_space<vmem>>
      %dma_start3A_72 = arith.constant 0 : i32
      %dma_start3A_73 = tpu.memref_slice %arg2[%mul3A_2, %dma_start3A_72] : memref<16384x200xi32, #tpu.memory_space<hbm>> -> memref<8x200xi32, #tpu.memory_space<hbm>>
      %dma_start3A_74 = arith.constant 0 : i32
      %dma_start3A_75 = arith.constant 0 : i32
      %dma_start3A_76 = tpu.memref_slice %arg5[%run_scoped3A, %dma_start3A_74, %dma_start3A_75] : memref<2x8x200xi32, #tpu.memory_space<vmem>> -> memref<1x8x200xi32, #tpu.memory_space<vmem>>
      %dma_start3A_77 = tpu.memref_squeeze %dma_start3A_76 : memref<1x8x200xi32, #tpu.memory_space<vmem>> -> memref<8x200xi32, #tpu.memory_space<vmem>>
      %dma_start3A_78 = arith.constant 0 : i32
      %dma_start3A_79 = tpu.memref_slice %arg2[%mul3A_2, %dma_start3A_78] : memref<16384x200xi32, #tpu.memory_space<hbm>> -> memref<8x200xi32, #tpu.memory_space<hbm>>
      tpu.enqueue_dma source(%dma_start3A_79 : memref<8x200xi32, #tpu.memory_space<hbm>>) target(%dma_start3A_77 : memref<8x200xi32, #tpu.memory_space<vmem>>) target_semaphore(%run_scoped3A_67 : memref<!tpu.dma_semaphore, #tpu.memory_space<semaphore_mem>>)
      %dma_wait3A_80 = arith.constant 0 : i32
      %dma_wait3A_81 = arith.constant 0 : i32
      %dma_wait3A_82 = tpu.memref_slice %arg5[%run_scoped3A, %dma_wait3A_80, %dma_wait3A_81] : memref<2x8x200xi32, #tpu.memory_space<vmem>> -> memref<1x8x200xi32, #tpu.memory_space<vmem>>
      %dma_wait3A_83 = tpu.memref_squeeze %dma_wait3A_82 : memref<1x8x200xi32, #tpu.memory_space<vmem>> -> memref<8x200xi32, #tpu.memory_space<vmem>>
      %dma_wait3A_84 = arith.constant 0 : i32
      %dma_wait3A_85 = tpu.memref_slice %arg2[%mul3A_2, %dma_wait3A_84] : memref<16384x200xi32, #tpu.memory_space<hbm>> -> memref<8x200xi32, #tpu.memory_space<hbm>>
      %dma_wait3A_86 = arith.constant 0 : i32
      %dma_wait3A_87 = arith.constant 0 : i32
      %dma_wait3A_88 = tpu.memref_slice %arg5[%run_scoped3A, %dma_wait3A_86, %dma_wait3A_87] : memref<2x8x200xi32, #tpu.memory_space<vmem>> -> memref<1x8x200xi32, #tpu.memory_space<vmem>>
      %dma_wait3A_89 = tpu.memref_squeeze %dma_wait3A_88 : memref<1x8x200xi32, #tpu.memory_space<vmem>> -> memref<8x200xi32, #tpu.memory_space<vmem>>
      %dma_wait3A_90 = arith.constant 0 : i32
      %dma_wait3A_91 = tpu.memref_slice %arg2[%mul3A_2, %dma_wait3A_90] : memref<16384x200xi32, #tpu.memory_space<hbm>> -> memref<8x200xi32, #tpu.memory_space<hbm>>
      tpu.wait_dma2 semaphore(%run_scoped3A_67 : memref<!tpu.dma_semaphore, #tpu.memory_space<semaphore_mem>>) src(%dma_wait3A_91 : memref<8x200xi32, #tpu.memory_space<hbm>>) dst(%dma_wait3A_89 : memref<8x200xi32, #tpu.memory_space<vmem>>)
      tpu.yield
    }) : () -> ()
    %scan3A = arith.constant 0 : i32
    %scan3A_3 = arith.constant 32 : i32
    %scan3A_4 = arith.addi %scan3A, %scan3A_3 : i32
    %scan3A_5 = arith.constant 1 : i32
    scf.for %scan3A_67 = %scan3A to %scan3A_4 step %scan3A_5  : i32 {
      %mul3A_68 = arith.constant 2 : i32
      %mul3A_69 = arith.muli %scan3A_67, %mul3A_68 : i32
      %add3A_70 = arith.constant 0 : i32
      %add3A_71 = arith.addi %add3A_70, %mul3A_69 : i32
      %add3A_72 = arith.constant 0 : i32
      %add3A_73 = arith.addi %add3A_71, %add3A_72 : i32
      %mul3A_74 = arith.constant 8 : i32
      %mul3A_75 = arith.muli %add3A_73, %mul3A_74 : i32
      %add3A_76 = arith.addi %mul3A_2, %mul3A_75 : i32
      %ge3A = arith.constant 1 : i32
      %ge3A_77 = arith.cmpi sge, %add3A_73, %ge3A : i32
      %convert_element_type3A = arith.extui %ge3A_77 : i1 to i32
      %cond3A = arith.constant 0 : i32
      %cond3A_78 = arith.cmpi ne, %convert_element_type3A, %cond3A : i32
      scf.if %cond3A_78 {
        %dma_wait3A_634 = arith.constant 0 : i32
        %dma_wait3A_635 = arith.constant 0 : i32
        %dma_wait3A_636 = arith.constant 0 : i32
        %dma_wait3A_637 = tpu.memref_slice %arg5[%dma_wait3A_634, %dma_wait3A_635, %dma_wait3A_636] : memref<2x8x200xi32, #tpu.memory_space<vmem>> -> memref<1x8x200xi32, #tpu.memory_space<vmem>>
        %dma_wait3A_638 = tpu.memref_squeeze %dma_wait3A_637 : memref<1x8x200xi32, #tpu.memory_space<vmem>> -> memref<8x200xi32, #tpu.memory_space<vmem>>
        %dma_wait3A_639 = arith.constant 0 : i32
        %dma_wait3A_640 = arith.constant 0 : i32
        %dma_wait3A_641 = tpu.memref_slice %arg2[%dma_wait3A_639, %dma_wait3A_640] : memref<16384x200xi32, #tpu.memory_space<hbm>> -> memref<8x200xi32, #tpu.memory_space<hbm>>
        %dma_wait3A_642 = arith.constant 0 : i32
        %dma_wait3A_643 = arith.constant 0 : i32
        %dma_wait3A_644 = tpu.memref_slice %arg5[%dma_wait3A_634, %dma_wait3A_642, %dma_wait3A_643] : memref<2x8x200xi32, #tpu.memory_space<vmem>> -> memref<1x8x200xi32, #tpu.memory_space<vmem>>
        %dma_wait3A_645 = tpu.memref_squeeze %dma_wait3A_644 : memref<1x8x200xi32, #tpu.memory_space<vmem>> -> memref<8x200xi32, #tpu.memory_space<vmem>>
        %dma_wait3A_646 = arith.constant 0 : i32
        %dma_wait3A_647 = arith.constant 0 : i32
        %dma_wait3A_648 = tpu.memref_slice %arg2[%dma_wait3A_646, %dma_wait3A_647] : memref<16384x200xi32, #tpu.memory_space<hbm>> -> memref<8x200xi32, #tpu.memory_space<hbm>>
        tpu.wait_dma2 semaphore(%arg9 : memref<!tpu.dma_semaphore, #tpu.memory_space<semaphore_mem>>) src(%dma_wait3A_648 : memref<8x200xi32, #tpu.memory_space<hbm>>) dst(%dma_wait3A_645 : memref<8x200xi32, #tpu.memory_space<vmem>>)
      } else {
      }
      %ge3A_79 = arith.constant 2 : i32
      %ge3A_80 = arith.cmpi sge, %add3A_73, %ge3A_79 : i32
      %convert_element_type3A_81 = arith.extui %ge3A_80 : i1 to i32
      %cond3A_82 = arith.constant 0 : i32
      %cond3A_83 = arith.cmpi ne, %convert_element_type3A_81, %cond3A_82 : i32
      scf.if %cond3A_83 {
        %dma_wait3A_634 = arith.constant 0 : i32
        %dma_wait3A_635 = arith.constant 0 : i32
        %dma_wait3A_636 = arith.constant 0 : i32
        %dma_wait3A_637 = tpu.memref_slice %arg6[%dma_wait3A_634, %dma_wait3A_635, %dma_wait3A_636] : memref<2x1600x32xf32, #tpu.memory_space<vmem>> -> memref<1x1600x32xf32, #tpu.memory_space<vmem>>
        %dma_wait3A_638 = tpu.memref_squeeze %dma_wait3A_637 : memref<1x1600x32xf32, #tpu.memory_space<vmem>> -> memref<1600x32xf32, #tpu.memory_space<vmem>>
        %dma_wait3A_639 = arith.constant 0 : i32
        %dma_wait3A_640 = arith.constant 0 : i32
        %dma_wait3A_641 = tpu.memref_slice %arg4[%dma_wait3A_639, %dma_wait3A_640] : memref<3276800x32xf32, #tpu.memory_space<hbm>> -> memref<1600x32xf32, #tpu.memory_space<hbm>>
        %dma_wait3A_642 = arith.constant 0 : i32
        %dma_wait3A_643 = arith.constant 0 : i32
        %dma_wait3A_644 = tpu.memref_slice %arg4[%dma_wait3A_642, %dma_wait3A_643] : memref<3276800x32xf32, #tpu.memory_space<hbm>> -> memref<1600x32xf32, #tpu.memory_space<hbm>>
        %dma_wait3A_645 = arith.constant 0 : i32
        %dma_wait3A_646 = arith.constant 0 : i32
        %dma_wait3A_647 = tpu.memref_slice %arg6[%dma_wait3A_634, %dma_wait3A_645, %dma_wait3A_646] : memref<2x1600x32xf32, #tpu.memory_space<vmem>> -> memref<1x1600x32xf32, #tpu.memory_space<vmem>>
        %dma_wait3A_648 = tpu.memref_squeeze %dma_wait3A_647 : memref<1x1600x32xf32, #tpu.memory_space<vmem>> -> memref<1600x32xf32, #tpu.memory_space<vmem>>
        tpu.wait_dma2 semaphore(%arg10 : memref<!tpu.dma_semaphore, #tpu.memory_space<semaphore_mem>>) src(%dma_wait3A_648 : memref<1600x32xf32, #tpu.memory_space<vmem>>) dst(%dma_wait3A_644 : memref<1600x32xf32, #tpu.memory_space<hbm>>)
      } else {
      }
      %dma_start3A_84 = arith.constant 0 : i32
      %dma_start3A_85 = arith.constant 0 : i32
      %dma_start3A_86 = arith.constant 0 : i32
      %dma_start3A_87 = arith.constant 0 : i32
      %dma_start3A_88 = arith.constant 0 : i32
      %dma_start3A_89 = tpu.memref_slice %arg6[%dma_start3A_86, %dma_start3A_87, %dma_start3A_88] : memref<2x1600x32xf32, #tpu.memory_space<vmem>> -> memref<1x1600x32xf32, #tpu.memory_space<vmem>>
      %dma_start3A_90 = tpu.memref_squeeze %dma_start3A_89 : memref<1x1600x32xf32, #tpu.memory_space<vmem>> -> memref<1600x32xf32, #tpu.memory_space<vmem>>
      %dma_start3A_91 = arith.constant 0 : i32
      %dma_start3A_92 = arith.constant 0 : i32
      %dma_start3A_93 = tpu.memref_slice %dma_start3A_90[%dma_start3A_91, %dma_start3A_92] : memref<1600x32xf32, #tpu.memory_space<vmem>> -> memref<128x32xf32, #tpu.memory_space<vmem>>
      %dma_start3A_94 = arith.constant 0 : i32
      %dma_start3A_95 = tpu.memref_slice %arg5[%dma_start3A_84, %dma_start3A_85, %dma_start3A_94] : memref<2x8x200xi32, #tpu.memory_space<vmem>> -> memref<1x1x128xi32, #tpu.memory_space<vmem>>
      %dma_start3A_96 = tpu.memref_squeeze %dma_start3A_95 : memref<1x1x128xi32, #tpu.memory_space<vmem>> -> memref<128xi32, #tpu.memory_space<vmem>>
      %dma_start3A_97 = arith.constant 0 : i32
      %dma_start3A_98 = arith.constant 0 : i32
      %dma_start3A_99 = tpu.memref_slice %arg3[%dma_start3A_97, %dma_start3A_98] : memref<4000000x32xf32, #tpu.memory_space<hbm>> -> memref<4000000x32xf32, #tpu.memory_space<hbm>>
      tpu.enqueue_indirect_dma source(%dma_start3A_99 : memref<4000000x32xf32, #tpu.memory_space<hbm>>) target(%dma_start3A_93 : memref<128x32xf32, #tpu.memory_space<vmem>>) offsets(%dma_start3A_96 : memref<128xi32, #tpu.memory_space<vmem>>) semaphore(%arg7 : memref<!tpu.dma_semaphore, #tpu.memory_space<semaphore_mem>>)
      %dma_start3A_100 = arith.constant 0 : i32
      %dma_start3A_101 = arith.constant 0 : i32
      %dma_start3A_102 = arith.constant 0 : i32
      %dma_start3A_103 = arith.constant 0 : i32
      %dma_start3A_104 = arith.constant 0 : i32
      %dma_start3A_105 = tpu.memref_slice %arg6[%dma_start3A_102, %dma_start3A_103, %dma_start3A_104] : memref<2x1600x32xf32, #tpu.memory_space<vmem>> -> memref<1x1600x32xf32, #tpu.memory_space<vmem>>
      %dma_start3A_106 = tpu.memref_squeeze %dma_start3A_105 : memref<1x1600x32xf32, #tpu.memory_space<vmem>> -> memref<1600x32xf32, #tpu.memory_space<vmem>>
      %dma_start3A_107 = arith.constant 128 : i32
      %dma_start3A_108 = arith.constant 0 : i32
      %dma_start3A_109 = tpu.memref_slice %dma_start3A_106[%dma_start3A_107, %dma_start3A_108] : memref<1600x32xf32, #tpu.memory_space<vmem>> -> memref<72x32xf32, #tpu.memory_space<vmem>>
      %dma_start3A_110 = arith.constant 128 : i32
      %dma_start3A_111 = tpu.memref_slice %arg5[%dma_start3A_100, %dma_start3A_101, %dma_start3A_110] : memref<2x8x200xi32, #tpu.memory_space<vmem>> -> memref<1x1x72xi32, #tpu.memory_space<vmem>>
      %dma_start3A_112 = tpu.memref_squeeze %dma_start3A_111 : memref<1x1x72xi32, #tpu.memory_space<vmem>> -> memref<72xi32, #tpu.memory_space<vmem>>
      %dma_start3A_113 = arith.constant 0 : i32
      %dma_start3A_114 = arith.constant 0 : i32
      %dma_start3A_115 = tpu.memref_slice %arg3[%dma_start3A_113, %dma_start3A_114] : memref<4000000x32xf32, #tpu.memory_space<hbm>> -> memref<4000000x32xf32, #tpu.memory_space<hbm>>
      tpu.enqueue_indirect_dma source(%dma_start3A_115 : memref<4000000x32xf32, #tpu.memory_space<hbm>>) target(%dma_start3A_109 : memref<72x32xf32, #tpu.memory_space<vmem>>) offsets(%dma_start3A_112 : memref<72xi32, #tpu.memory_space<vmem>>) semaphore(%arg7 : memref<!tpu.dma_semaphore, #tpu.memory_space<semaphore_mem>>)
      %dma_start3A_116 = arith.constant 0 : i32
      %dma_start3A_117 = arith.constant 1 : i32
      %dma_start3A_118 = arith.constant 0 : i32
      %dma_start3A_119 = arith.constant 0 : i32
      %dma_start3A_120 = arith.constant 0 : i32
      %dma_start3A_121 = tpu.memref_slice %arg6[%dma_start3A_118, %dma_start3A_119, %dma_start3A_120] : memref<2x1600x32xf32, #tpu.memory_space<vmem>> -> memref<1x1600x32xf32, #tpu.memory_space<vmem>>
      %dma_start3A_122 = tpu.memref_squeeze %dma_start3A_121 : memref<1x1600x32xf32, #tpu.memory_space<vmem>> -> memref<1600x32xf32, #tpu.memory_space<vmem>>
      %dma_start3A_123 = arith.constant 200 : i32
      %dma_start3A_124 = arith.constant 0 : i32
      %dma_start3A_125 = tpu.memref_slice %dma_start3A_122[%dma_start3A_123, %dma_start3A_124] : memref<1600x32xf32, #tpu.memory_space<vmem>> -> memref<128x32xf32, #tpu.memory_space<vmem>>
      %dma_start3A_126 = arith.constant 0 : i32
      %dma_start3A_127 = tpu.memref_slice %arg5[%dma_start3A_116, %dma_start3A_117, %dma_start3A_126] : memref<2x8x200xi32, #tpu.memory_space<vmem>> -> memref<1x1x128xi32, #tpu.memory_space<vmem>>
      %dma_start3A_128 = tpu.memref_squeeze %dma_start3A_127 : memref<1x1x128xi32, #tpu.memory_space<vmem>> -> memref<128xi32, #tpu.memory_space<vmem>>
      %dma_start3A_129 = arith.constant 0 : i32
      %dma_start3A_130 = arith.constant 0 : i32
      %dma_start3A_131 = tpu.memref_slice %arg3[%dma_start3A_129, %dma_start3A_130] : memref<4000000x32xf32, #tpu.memory_space<hbm>> -> memref<4000000x32xf32, #tpu.memory_space<hbm>>
      tpu.enqueue_indirect_dma source(%dma_start3A_131 : memref<4000000x32xf32, #tpu.memory_space<hbm>>) target(%dma_start3A_125 : memref<128x32xf32, #tpu.memory_space<vmem>>) offsets(%dma_start3A_128 : memref<128xi32, #tpu.memory_space<vmem>>) semaphore(%arg7 : memref<!tpu.dma_semaphore, #tpu.memory_space<semaphore_mem>>)
      %dma_start3A_132 = arith.constant 0 : i32
      %dma_start3A_133 = arith.constant 1 : i32
      %dma_start3A_134 = arith.constant 0 : i32
      %dma_start3A_135 = arith.constant 0 : i32
      %dma_start3A_136 = arith.constant 0 : i32
      %dma_start3A_137 = tpu.memref_slice %arg6[%dma_start3A_134, %dma_start3A_135, %dma_start3A_136] : memref<2x1600x32xf32, #tpu.memory_space<vmem>> -> memref<1x1600x32xf32, #tpu.memory_space<vmem>>
      %dma_start3A_138 = tpu.memref_squeeze %dma_start3A_137 : memref<1x1600x32xf32, #tpu.memory_space<vmem>> -> memref<1600x32xf32, #tpu.memory_space<vmem>>
      %dma_start3A_139 = arith.constant 328 : i32
      %dma_start3A_140 = arith.constant 0 : i32
      %dma_start3A_141 = tpu.memref_slice %dma_start3A_138[%dma_start3A_139, %dma_start3A_140] : memref<1600x32xf32, #tpu.memory_space<vmem>> -> memref<72x32xf32, #tpu.memory_space<vmem>>
      %dma_start3A_142 = arith.constant 128 : i32
      %dma_start3A_143 = tpu.memref_slice %arg5[%dma_start3A_132, %dma_start3A_133, %dma_start3A_142] : memref<2x8x200xi32, #tpu.memory_space<vmem>> -> memref<1x1x72xi32, #tpu.memory_space<vmem>>
      %dma_start3A_144 = tpu.memref_squeeze %dma_start3A_143 : memref<1x1x72xi32, #tpu.memory_space<vmem>> -> memref<72xi32, #tpu.memory_space<vmem>>
      %dma_start3A_145 = arith.constant 0 : i32
      %dma_start3A_146 = arith.constant 0 : i32
      %dma_start3A_147 = tpu.memref_slice %arg3[%dma_start3A_145, %dma_start3A_146] : memref<4000000x32xf32, #tpu.memory_space<hbm>> -> memref<4000000x32xf32, #tpu.memory_space<hbm>>
      tpu.enqueue_indirect_dma source(%dma_start3A_147 : memref<4000000x32xf32, #tpu.memory_space<hbm>>) target(%dma_start3A_141 : memref<72x32xf32, #tpu.memory_space<vmem>>) offsets(%dma_start3A_144 : memref<72xi32, #tpu.memory_space<vmem>>) semaphore(%arg7 : memref<!tpu.dma_semaphore, #tpu.memory_space<semaphore_mem>>)
      %dma_start3A_148 = arith.constant 0 : i32
      %dma_start3A_149 = arith.constant 2 : i32
      %dma_start3A_150 = arith.constant 0 : i32
      %dma_start3A_151 = arith.constant 0 : i32
      %dma_start3A_152 = arith.constant 0 : i32
      %dma_start3A_153 = tpu.memref_slice %arg6[%dma_start3A_150, %dma_start3A_151, %dma_start3A_152] : memref<2x1600x32xf32, #tpu.memory_space<vmem>> -> memref<1x1600x32xf32, #tpu.memory_space<vmem>>
      %dma_start3A_154 = tpu.memref_squeeze %dma_start3A_153 : memref<1x1600x32xf32, #tpu.memory_space<vmem>> -> memref<1600x32xf32, #tpu.memory_space<vmem>>
      %dma_start3A_155 = arith.constant 400 : i32
      %dma_start3A_156 = arith.constant 0 : i32
      %dma_start3A_157 = tpu.memref_slice %dma_start3A_154[%dma_start3A_155, %dma_start3A_156] : memref<1600x32xf32, #tpu.memory_space<vmem>> -> memref<128x32xf32, #tpu.memory_space<vmem>>
      %dma_start3A_158 = arith.constant 0 : i32
      %dma_start3A_159 = tpu.memref_slice %arg5[%dma_start3A_148, %dma_start3A_149, %dma_start3A_158] : memref<2x8x200xi32, #tpu.memory_space<vmem>> -> memref<1x1x128xi32, #tpu.memory_space<vmem>>
      %dma_start3A_160 = tpu.memref_squeeze %dma_start3A_159 : memref<1x1x128xi32, #tpu.memory_space<vmem>> -> memref<128xi32, #tpu.memory_space<vmem>>
      %dma_start3A_161 = arith.constant 0 : i32
      %dma_start3A_162 = arith.constant 0 : i32
      %dma_start3A_163 = tpu.memref_slice %arg3[%dma_start3A_161, %dma_start3A_162] : memref<4000000x32xf32, #tpu.memory_space<hbm>> -> memref<4000000x32xf32, #tpu.memory_space<hbm>>
      tpu.enqueue_indirect_dma source(%dma_start3A_163 : memref<4000000x32xf32, #tpu.memory_space<hbm>>) target(%dma_start3A_157 : memref<128x32xf32, #tpu.memory_space<vmem>>) offsets(%dma_start3A_160 : memref<128xi32, #tpu.memory_space<vmem>>) semaphore(%arg7 : memref<!tpu.dma_semaphore, #tpu.memory_space<semaphore_mem>>)
      %dma_start3A_164 = arith.constant 0 : i32
      %dma_start3A_165 = arith.constant 2 : i32
      %dma_start3A_166 = arith.constant 0 : i32
      %dma_start3A_167 = arith.constant 0 : i32
      %dma_start3A_168 = arith.constant 0 : i32
      %dma_start3A_169 = tpu.memref_slice %arg6[%dma_start3A_166, %dma_start3A_167, %dma_start3A_168] : memref<2x1600x32xf32, #tpu.memory_space<vmem>> -> memref<1x1600x32xf32, #tpu.memory_space<vmem>>
      %dma_start3A_170 = tpu.memref_squeeze %dma_start3A_169 : memref<1x1600x32xf32, #tpu.memory_space<vmem>> -> memref<1600x32xf32, #tpu.memory_space<vmem>>
      %dma_start3A_171 = arith.constant 528 : i32
      %dma_start3A_172 = arith.constant 0 : i32
      %dma_start3A_173 = tpu.memref_slice %dma_start3A_170[%dma_start3A_171, %dma_start3A_172] : memref<1600x32xf32, #tpu.memory_space<vmem>> -> memref<72x32xf32, #tpu.memory_space<vmem>>
      %dma_start3A_174 = arith.constant 128 : i32
      %dma_start3A_175 = tpu.memref_slice %arg5[%dma_start3A_164, %dma_start3A_165, %dma_start3A_174] : memref<2x8x200xi32, #tpu.memory_space<vmem>> -> memref<1x1x72xi32, #tpu.memory_space<vmem>>
      %dma_start3A_176 = tpu.memref_squeeze %dma_start3A_175 : memref<1x1x72xi32, #tpu.memory_space<vmem>> -> memref<72xi32, #tpu.memory_space<vmem>>
      %dma_start3A_177 = arith.constant 0 : i32
      %dma_start3A_178 = arith.constant 0 : i32
      %dma_start3A_179 = tpu.memref_slice %arg3[%dma_start3A_177, %dma_start3A_178] : memref<4000000x32xf32, #tpu.memory_space<hbm>> -> memref<4000000x32xf32, #tpu.memory_space<hbm>>
      tpu.enqueue_indirect_dma source(%dma_start3A_179 : memref<4000000x32xf32, #tpu.memory_space<hbm>>) target(%dma_start3A_173 : memref<72x32xf32, #tpu.memory_space<vmem>>) offsets(%dma_start3A_176 : memref<72xi32, #tpu.memory_space<vmem>>) semaphore(%arg7 : memref<!tpu.dma_semaphore, #tpu.memory_space<semaphore_mem>>)
      %dma_start3A_180 = arith.constant 0 : i32
      %dma_start3A_181 = arith.constant 3 : i32
      %dma_start3A_182 = arith.constant 0 : i32
      %dma_start3A_183 = arith.constant 0 : i32
      %dma_start3A_184 = arith.constant 0 : i32
      %dma_start3A_185 = tpu.memref_slice %arg6[%dma_start3A_182, %dma_start3A_183, %dma_start3A_184] : memref<2x1600x32xf32, #tpu.memory_space<vmem>> -> memref<1x1600x32xf32, #tpu.memory_space<vmem>>
      %dma_start3A_186 = tpu.memref_squeeze %dma_start3A_185 : memref<1x1600x32xf32, #tpu.memory_space<vmem>> -> memref<1600x32xf32, #tpu.memory_space<vmem>>
      %dma_start3A_187 = arith.constant 600 : i32
      %dma_start3A_188 = arith.constant 0 : i32
      %dma_start3A_189 = tpu.memref_slice %dma_start3A_186[%dma_start3A_187, %dma_start3A_188] : memref<1600x32xf32, #tpu.memory_space<vmem>> -> memref<128x32xf32, #tpu.memory_space<vmem>>
      %dma_start3A_190 = arith.constant 0 : i32
      %dma_start3A_191 = tpu.memref_slice %arg5[%dma_start3A_180, %dma_start3A_181, %dma_start3A_190] : memref<2x8x200xi32, #tpu.memory_space<vmem>> -> memref<1x1x128xi32, #tpu.memory_space<vmem>>
      %dma_start3A_192 = tpu.memref_squeeze %dma_start3A_191 : memref<1x1x128xi32, #tpu.memory_space<vmem>> -> memref<128xi32, #tpu.memory_space<vmem>>
      %dma_start3A_193 = arith.constant 0 : i32
      %dma_start3A_194 = arith.constant 0 : i32
      %dma_start3A_195 = tpu.memref_slice %arg3[%dma_start3A_193, %dma_start3A_194] : memref<4000000x32xf32, #tpu.memory_space<hbm>> -> memref<4000000x32xf32, #tpu.memory_space<hbm>>
      tpu.enqueue_indirect_dma source(%dma_start3A_195 : memref<4000000x32xf32, #tpu.memory_space<hbm>>) target(%dma_start3A_189 : memref<128x32xf32, #tpu.memory_space<vmem>>) offsets(%dma_start3A_192 : memref<128xi32, #tpu.memory_space<vmem>>) semaphore(%arg7 : memref<!tpu.dma_semaphore, #tpu.memory_space<semaphore_mem>>)
      %dma_start3A_196 = arith.constant 0 : i32
      %dma_start3A_197 = arith.constant 3 : i32
      %dma_start3A_198 = arith.constant 0 : i32
      %dma_start3A_199 = arith.constant 0 : i32
      %dma_start3A_200 = arith.constant 0 : i32
      %dma_start3A_201 = tpu.memref_slice %arg6[%dma_start3A_198, %dma_start3A_199, %dma_start3A_200] : memref<2x1600x32xf32, #tpu.memory_space<vmem>> -> memref<1x1600x32xf32, #tpu.memory_space<vmem>>
      %dma_start3A_202 = tpu.memref_squeeze %dma_start3A_201 : memref<1x1600x32xf32, #tpu.memory_space<vmem>> -> memref<1600x32xf32, #tpu.memory_space<vmem>>
      %dma_start3A_203 = arith.constant 728 : i32
      %dma_start3A_204 = arith.constant 0 : i32
      %dma_start3A_205 = tpu.memref_slice %dma_start3A_202[%dma_start3A_203, %dma_start3A_204] : memref<1600x32xf32, #tpu.memory_space<vmem>> -> memref<72x32xf32, #tpu.memory_space<vmem>>
      %dma_start3A_206 = arith.constant 128 : i32
      %dma_start3A_207 = tpu.memref_slice %arg5[%dma_start3A_196, %dma_start3A_197, %dma_start3A_206] : memref<2x8x200xi32, #tpu.memory_space<vmem>> -> memref<1x1x72xi32, #tpu.memory_space<vmem>>
      %dma_start3A_208 = tpu.memref_squeeze %dma_start3A_207 : memref<1x1x72xi32, #tpu.memory_space<vmem>> -> memref<72xi32, #tpu.memory_space<vmem>>
      %dma_start3A_209 = arith.constant 0 : i32
      %dma_start3A_210 = arith.constant 0 : i32
      %dma_start3A_211 = tpu.memref_slice %arg3[%dma_start3A_209, %dma_start3A_210] : memref<4000000x32xf32, #tpu.memory_space<hbm>> -> memref<4000000x32xf32, #tpu.memory_space<hbm>>
      tpu.enqueue_indirect_dma source(%dma_start3A_211 : memref<4000000x32xf32, #tpu.memory_space<hbm>>) target(%dma_start3A_205 : memref<72x32xf32, #tpu.memory_space<vmem>>) offsets(%dma_start3A_208 : memref<72xi32, #tpu.memory_space<vmem>>) semaphore(%arg7 : memref<!tpu.dma_semaphore, #tpu.memory_space<semaphore_mem>>)
      %dma_start3A_212 = arith.constant 0 : i32
      %dma_start3A_213 = arith.constant 4 : i32
      %dma_start3A_214 = arith.constant 0 : i32
      %dma_start3A_215 = arith.constant 0 : i32
      %dma_start3A_216 = arith.constant 0 : i32
      %dma_start3A_217 = tpu.memref_slice %arg6[%dma_start3A_214, %dma_start3A_215, %dma_start3A_216] : memref<2x1600x32xf32, #tpu.memory_space<vmem>> -> memref<1x1600x32xf32, #tpu.memory_space<vmem>>
      %dma_start3A_218 = tpu.memref_squeeze %dma_start3A_217 : memref<1x1600x32xf32, #tpu.memory_space<vmem>> -> memref<1600x32xf32, #tpu.memory_space<vmem>>
      %dma_start3A_219 = arith.constant 800 : i32
      %dma_start3A_220 = arith.constant 0 : i32
      %dma_start3A_221 = tpu.memref_slice %dma_start3A_218[%dma_start3A_219, %dma_start3A_220] : memref<1600x32xf32, #tpu.memory_space<vmem>> -> memref<128x32xf32, #tpu.memory_space<vmem>>
      %dma_start3A_222 = arith.constant 0 : i32
      %dma_start3A_223 = tpu.memref_slice %arg5[%dma_start3A_212, %dma_start3A_213, %dma_start3A_222] : memref<2x8x200xi32, #tpu.memory_space<vmem>> -> memref<1x1x128xi32, #tpu.memory_space<vmem>>
      %dma_start3A_224 = tpu.memref_squeeze %dma_start3A_223 : memref<1x1x128xi32, #tpu.memory_space<vmem>> -> memref<128xi32, #tpu.memory_space<vmem>>
      %dma_start3A_225 = arith.constant 0 : i32
      %dma_start3A_226 = arith.constant 0 : i32
      %dma_start3A_227 = tpu.memref_slice %arg3[%dma_start3A_225, %dma_start3A_226] : memref<4000000x32xf32, #tpu.memory_space<hbm>> -> memref<4000000x32xf32, #tpu.memory_space<hbm>>
      tpu.enqueue_indirect_dma source(%dma_start3A_227 : memref<4000000x32xf32, #tpu.memory_space<hbm>>) target(%dma_start3A_221 : memref<128x32xf32, #tpu.memory_space<vmem>>) offsets(%dma_start3A_224 : memref<128xi32, #tpu.memory_space<vmem>>) semaphore(%arg7 : memref<!tpu.dma_semaphore, #tpu.memory_space<semaphore_mem>>)
      %dma_start3A_228 = arith.constant 0 : i32
      %dma_start3A_229 = arith.constant 4 : i32
      %dma_start3A_230 = arith.constant 0 : i32
      %dma_start3A_231 = arith.constant 0 : i32
      %dma_start3A_232 = arith.constant 0 : i32
      %dma_start3A_233 = tpu.memref_slice %arg6[%dma_start3A_230, %dma_start3A_231, %dma_start3A_232] : memref<2x1600x32xf32, #tpu.memory_space<vmem>> -> memref<1x1600x32xf32, #tpu.memory_space<vmem>>
      %dma_start3A_234 = tpu.memref_squeeze %dma_start3A_233 : memref<1x1600x32xf32, #tpu.memory_space<vmem>> -> memref<1600x32xf32, #tpu.memory_space<vmem>>
      %dma_start3A_235 = arith.constant 928 : i32
      %dma_start3A_236 = arith.constant 0 : i32
      %dma_start3A_237 = tpu.memref_slice %dma_start3A_234[%dma_start3A_235, %dma_start3A_236] : memref<1600x32xf32, #tpu.memory_space<vmem>> -> memref<72x32xf32, #tpu.memory_space<vmem>>
      %dma_start3A_238 = arith.constant 128 : i32
      %dma_start3A_239 = tpu.memref_slice %arg5[%dma_start3A_228, %dma_start3A_229, %dma_start3A_238] : memref<2x8x200xi32, #tpu.memory_space<vmem>> -> memref<1x1x72xi32, #tpu.memory_space<vmem>>
      %dma_start3A_240 = tpu.memref_squeeze %dma_start3A_239 : memref<1x1x72xi32, #tpu.memory_space<vmem>> -> memref<72xi32, #tpu.memory_space<vmem>>
      %dma_start3A_241 = arith.constant 0 : i32
      %dma_start3A_242 = arith.constant 0 : i32
      %dma_start3A_243 = tpu.memref_slice %arg3[%dma_start3A_241, %dma_start3A_242] : memref<4000000x32xf32, #tpu.memory_space<hbm>> -> memref<4000000x32xf32, #tpu.memory_space<hbm>>
      tpu.enqueue_indirect_dma source(%dma_start3A_243 : memref<4000000x32xf32, #tpu.memory_space<hbm>>) target(%dma_start3A_237 : memref<72x32xf32, #tpu.memory_space<vmem>>) offsets(%dma_start3A_240 : memref<72xi32, #tpu.memory_space<vmem>>) semaphore(%arg7 : memref<!tpu.dma_semaphore, #tpu.memory_space<semaphore_mem>>)
      %dma_start3A_244 = arith.constant 0 : i32
      %dma_start3A_245 = arith.constant 5 : i32
      %dma_start3A_246 = arith.constant 0 : i32
      %dma_start3A_247 = arith.constant 0 : i32
      %dma_start3A_248 = arith.constant 0 : i32
      %dma_start3A_249 = tpu.memref_slice %arg6[%dma_start3A_246, %dma_start3A_247, %dma_start3A_248] : memref<2x1600x32xf32, #tpu.memory_space<vmem>> -> memref<1x1600x32xf32, #tpu.memory_space<vmem>>
      %dma_start3A_250 = tpu.memref_squeeze %dma_start3A_249 : memref<1x1600x32xf32, #tpu.memory_space<vmem>> -> memref<1600x32xf32, #tpu.memory_space<vmem>>
      %dma_start3A_251 = arith.constant 1000 : i32
      %dma_start3A_252 = arith.constant 0 : i32
      %dma_start3A_253 = tpu.memref_slice %dma_start3A_250[%dma_start3A_251, %dma_start3A_252] : memref<1600x32xf32, #tpu.memory_space<vmem>> -> memref<128x32xf32, #tpu.memory_space<vmem>>
      %dma_start3A_254 = arith.constant 0 : i32
      %dma_start3A_255 = tpu.memref_slice %arg5[%dma_start3A_244, %dma_start3A_245, %dma_start3A_254] : memref<2x8x200xi32, #tpu.memory_space<vmem>> -> memref<1x1x128xi32, #tpu.memory_space<vmem>>
      %dma_start3A_256 = tpu.memref_squeeze %dma_start3A_255 : memref<1x1x128xi32, #tpu.memory_space<vmem>> -> memref<128xi32, #tpu.memory_space<vmem>>
      %dma_start3A_257 = arith.constant 0 : i32
      %dma_start3A_258 = arith.constant 0 : i32
      %dma_start3A_259 = tpu.memref_slice %arg3[%dma_start3A_257, %dma_start3A_258] : memref<4000000x32xf32, #tpu.memory_space<hbm>> -> memref<4000000x32xf32, #tpu.memory_space<hbm>>
      tpu.enqueue_indirect_dma source(%dma_start3A_259 : memref<4000000x32xf32, #tpu.memory_space<hbm>>) target(%dma_start3A_253 : memref<128x32xf32, #tpu.memory_space<vmem>>) offsets(%dma_start3A_256 : memref<128xi32, #tpu.memory_space<vmem>>) semaphore(%arg7 : memref<!tpu.dma_semaphore, #tpu.memory_space<semaphore_mem>>)
      %dma_start3A_260 = arith.constant 0 : i32
      %dma_start3A_261 = arith.constant 5 : i32
      %dma_start3A_262 = arith.constant 0 : i32
      %dma_start3A_263 = arith.constant 0 : i32
      %dma_start3A_264 = arith.constant 0 : i32
      %dma_start3A_265 = tpu.memref_slice %arg6[%dma_start3A_262, %dma_start3A_263, %dma_start3A_264] : memref<2x1600x32xf32, #tpu.memory_space<vmem>> -> memref<1x1600x32xf32, #tpu.memory_space<vmem>>
      %dma_start3A_266 = tpu.memref_squeeze %dma_start3A_265 : memref<1x1600x32xf32, #tpu.memory_space<vmem>> -> memref<1600x32xf32, #tpu.memory_space<vmem>>
      %dma_start3A_267 = arith.constant 1128 : i32
      %dma_start3A_268 = arith.constant 0 : i32
      %dma_start3A_269 = tpu.memref_slice %dma_start3A_266[%dma_start3A_267, %dma_start3A_268] : memref<1600x32xf32, #tpu.memory_space<vmem>> -> memref<72x32xf32, #tpu.memory_space<vmem>>
      %dma_start3A_270 = arith.constant 128 : i32
      %dma_start3A_271 = tpu.memref_slice %arg5[%dma_start3A_260, %dma_start3A_261, %dma_start3A_270] : memref<2x8x200xi32, #tpu.memory_space<vmem>> -> memref<1x1x72xi32, #tpu.memory_space<vmem>>
      %dma_start3A_272 = tpu.memref_squeeze %dma_start3A_271 : memref<1x1x72xi32, #tpu.memory_space<vmem>> -> memref<72xi32, #tpu.memory_space<vmem>>
      %dma_start3A_273 = arith.constant 0 : i32
      %dma_start3A_274 = arith.constant 0 : i32
      %dma_start3A_275 = tpu.memref_slice %arg3[%dma_start3A_273, %dma_start3A_274] : memref<4000000x32xf32, #tpu.memory_space<hbm>> -> memref<4000000x32xf32, #tpu.memory_space<hbm>>
      tpu.enqueue_indirect_dma source(%dma_start3A_275 : memref<4000000x32xf32, #tpu.memory_space<hbm>>) target(%dma_start3A_269 : memref<72x32xf32, #tpu.memory_space<vmem>>) offsets(%dma_start3A_272 : memref<72xi32, #tpu.memory_space<vmem>>) semaphore(%arg7 : memref<!tpu.dma_semaphore, #tpu.memory_space<semaphore_mem>>)
      %dma_start3A_276 = arith.constant 0 : i32
      %dma_start3A_277 = arith.constant 6 : i32
      %dma_start3A_278 = arith.constant 0 : i32
      %dma_start3A_279 = arith.constant 0 : i32
      %dma_start3A_280 = arith.constant 0 : i32
      %dma_start3A_281 = tpu.memref_slice %arg6[%dma_start3A_278, %dma_start3A_279, %dma_start3A_280] : memref<2x1600x32xf32, #tpu.memory_space<vmem>> -> memref<1x1600x32xf32, #tpu.memory_space<vmem>>
      %dma_start3A_282 = tpu.memref_squeeze %dma_start3A_281 : memref<1x1600x32xf32, #tpu.memory_space<vmem>> -> memref<1600x32xf32, #tpu.memory_space<vmem>>
      %dma_start3A_283 = arith.constant 1200 : i32
      %dma_start3A_284 = arith.constant 0 : i32
      %dma_start3A_285 = tpu.memref_slice %dma_start3A_282[%dma_start3A_283, %dma_start3A_284] : memref<1600x32xf32, #tpu.memory_space<vmem>> -> memref<128x32xf32, #tpu.memory_space<vmem>>
      %dma_start3A_286 = arith.constant 0 : i32
      %dma_start3A_287 = tpu.memref_slice %arg5[%dma_start3A_276, %dma_start3A_277, %dma_start3A_286] : memref<2x8x200xi32, #tpu.memory_space<vmem>> -> memref<1x1x128xi32, #tpu.memory_space<vmem>>
      %dma_start3A_288 = tpu.memref_squeeze %dma_start3A_287 : memref<1x1x128xi32, #tpu.memory_space<vmem>> -> memref<128xi32, #tpu.memory_space<vmem>>
      %dma_start3A_289 = arith.constant 0 : i32
      %dma_start3A_290 = arith.constant 0 : i32
      %dma_start3A_291 = tpu.memref_slice %arg3[%dma_start3A_289, %dma_start3A_290] : memref<4000000x32xf32, #tpu.memory_space<hbm>> -> memref<4000000x32xf32, #tpu.memory_space<hbm>>
      tpu.enqueue_indirect_dma source(%dma_start3A_291 : memref<4000000x32xf32, #tpu.memory_space<hbm>>) target(%dma_start3A_285 : memref<128x32xf32, #tpu.memory_space<vmem>>) offsets(%dma_start3A_288 : memref<128xi32, #tpu.memory_space<vmem>>) semaphore(%arg7 : memref<!tpu.dma_semaphore, #tpu.memory_space<semaphore_mem>>)
      %dma_start3A_292 = arith.constant 0 : i32
      %dma_start3A_293 = arith.constant 6 : i32
      %dma_start3A_294 = arith.constant 0 : i32
      %dma_start3A_295 = arith.constant 0 : i32
      %dma_start3A_296 = arith.constant 0 : i32
      %dma_start3A_297 = tpu.memref_slice %arg6[%dma_start3A_294, %dma_start3A_295, %dma_start3A_296] : memref<2x1600x32xf32, #tpu.memory_space<vmem>> -> memref<1x1600x32xf32, #tpu.memory_space<vmem>>
      %dma_start3A_298 = tpu.memref_squeeze %dma_start3A_297 : memref<1x1600x32xf32, #tpu.memory_space<vmem>> -> memref<1600x32xf32, #tpu.memory_space<vmem>>
      %dma_start3A_299 = arith.constant 1328 : i32
      %dma_start3A_300 = arith.constant 0 : i32
      %dma_start3A_301 = tpu.memref_slice %dma_start3A_298[%dma_start3A_299, %dma_start3A_300] : memref<1600x32xf32, #tpu.memory_space<vmem>> -> memref<72x32xf32, #tpu.memory_space<vmem>>
      %dma_start3A_302 = arith.constant 128 : i32
      %dma_start3A_303 = tpu.memref_slice %arg5[%dma_start3A_292, %dma_start3A_293, %dma_start3A_302] : memref<2x8x200xi32, #tpu.memory_space<vmem>> -> memref<1x1x72xi32, #tpu.memory_space<vmem>>
      %dma_start3A_304 = tpu.memref_squeeze %dma_start3A_303 : memref<1x1x72xi32, #tpu.memory_space<vmem>> -> memref<72xi32, #tpu.memory_space<vmem>>
      %dma_start3A_305 = arith.constant 0 : i32
      %dma_start3A_306 = arith.constant 0 : i32
      %dma_start3A_307 = tpu.memref_slice %arg3[%dma_start3A_305, %dma_start3A_306] : memref<4000000x32xf32, #tpu.memory_space<hbm>> -> memref<4000000x32xf32, #tpu.memory_space<hbm>>
      tpu.enqueue_indirect_dma source(%dma_start3A_307 : memref<4000000x32xf32, #tpu.memory_space<hbm>>) target(%dma_start3A_301 : memref<72x32xf32, #tpu.memory_space<vmem>>) offsets(%dma_start3A_304 : memref<72xi32, #tpu.memory_space<vmem>>) semaphore(%arg7 : memref<!tpu.dma_semaphore, #tpu.memory_space<semaphore_mem>>)
      %dma_start3A_308 = arith.constant 0 : i32
      %dma_start3A_309 = arith.constant 7 : i32
      %dma_start3A_310 = arith.constant 0 : i32
      %dma_start3A_311 = arith.constant 0 : i32
      %dma_start3A_312 = arith.constant 0 : i32
      %dma_start3A_313 = tpu.memref_slice %arg6[%dma_start3A_310, %dma_start3A_311, %dma_start3A_312] : memref<2x1600x32xf32, #tpu.memory_space<vmem>> -> memref<1x1600x32xf32, #tpu.memory_space<vmem>>
      %dma_start3A_314 = tpu.memref_squeeze %dma_start3A_313 : memref<1x1600x32xf32, #tpu.memory_space<vmem>> -> memref<1600x32xf32, #tpu.memory_space<vmem>>
      %dma_start3A_315 = arith.constant 1400 : i32
      %dma_start3A_316 = arith.constant 0 : i32
      %dma_start3A_317 = tpu.memref_slice %dma_start3A_314[%dma_start3A_315, %dma_start3A_316] : memref<1600x32xf32, #tpu.memory_space<vmem>> -> memref<128x32xf32, #tpu.memory_space<vmem>>
      %dma_start3A_318 = arith.constant 0 : i32
      %dma_start3A_319 = tpu.memref_slice %arg5[%dma_start3A_308, %dma_start3A_309, %dma_start3A_318] : memref<2x8x200xi32, #tpu.memory_space<vmem>> -> memref<1x1x128xi32, #tpu.memory_space<vmem>>
      %dma_start3A_320 = tpu.memref_squeeze %dma_start3A_319 : memref<1x1x128xi32, #tpu.memory_space<vmem>> -> memref<128xi32, #tpu.memory_space<vmem>>
      %dma_start3A_321 = arith.constant 0 : i32
      %dma_start3A_322 = arith.constant 0 : i32
      %dma_start3A_323 = tpu.memref_slice %arg3[%dma_start3A_321, %dma_start3A_322] : memref<4000000x32xf32, #tpu.memory_space<hbm>> -> memref<4000000x32xf32, #tpu.memory_space<hbm>>
      tpu.enqueue_indirect_dma source(%dma_start3A_323 : memref<4000000x32xf32, #tpu.memory_space<hbm>>) target(%dma_start3A_317 : memref<128x32xf32, #tpu.memory_space<vmem>>) offsets(%dma_start3A_320 : memref<128xi32, #tpu.memory_space<vmem>>) semaphore(%arg7 : memref<!tpu.dma_semaphore, #tpu.memory_space<semaphore_mem>>)
      %dma_start3A_324 = arith.constant 0 : i32
      %dma_start3A_325 = arith.constant 7 : i32
      %dma_start3A_326 = arith.constant 0 : i32
      %dma_start3A_327 = arith.constant 0 : i32
      %dma_start3A_328 = arith.constant 0 : i32
      %dma_start3A_329 = tpu.memref_slice %arg6[%dma_start3A_326, %dma_start3A_327, %dma_start3A_328] : memref<2x1600x32xf32, #tpu.memory_space<vmem>> -> memref<1x1600x32xf32, #tpu.memory_space<vmem>>
      %dma_start3A_330 = tpu.memref_squeeze %dma_start3A_329 : memref<1x1600x32xf32, #tpu.memory_space<vmem>> -> memref<1600x32xf32, #tpu.memory_space<vmem>>
      %dma_start3A_331 = arith.constant 1528 : i32
      %dma_start3A_332 = arith.constant 0 : i32
      %dma_start3A_333 = tpu.memref_slice %dma_start3A_330[%dma_start3A_331, %dma_start3A_332] : memref<1600x32xf32, #tpu.memory_space<vmem>> -> memref<72x32xf32, #tpu.memory_space<vmem>>
      %dma_start3A_334 = arith.constant 128 : i32
      %dma_start3A_335 = tpu.memref_slice %arg5[%dma_start3A_324, %dma_start3A_325, %dma_start3A_334] : memref<2x8x200xi32, #tpu.memory_space<vmem>> -> memref<1x1x72xi32, #tpu.memory_space<vmem>>
      %dma_start3A_336 = tpu.memref_squeeze %dma_start3A_335 : memref<1x1x72xi32, #tpu.memory_space<vmem>> -> memref<72xi32, #tpu.memory_space<vmem>>
      %dma_start3A_337 = arith.constant 0 : i32
      %dma_start3A_338 = arith.constant 0 : i32
      %dma_start3A_339 = tpu.memref_slice %arg3[%dma_start3A_337, %dma_start3A_338] : memref<4000000x32xf32, #tpu.memory_space<hbm>> -> memref<4000000x32xf32, #tpu.memory_space<hbm>>
      tpu.enqueue_indirect_dma source(%dma_start3A_339 : memref<4000000x32xf32, #tpu.memory_space<hbm>>) target(%dma_start3A_333 : memref<72x32xf32, #tpu.memory_space<vmem>>) offsets(%dma_start3A_336 : memref<72xi32, #tpu.memory_space<vmem>>) semaphore(%arg7 : memref<!tpu.dma_semaphore, #tpu.memory_space<semaphore_mem>>)
      %ge3A_340 = arith.constant 1 : i32
      %ge3A_341 = arith.cmpi sge, %add3A_73, %ge3A_340 : i32
      %convert_element_type3A_342 = arith.extui %ge3A_341 : i1 to i32
      %cond3A_343 = arith.constant 0 : i32
      %cond3A_344 = arith.cmpi ne, %convert_element_type3A_342, %cond3A_343 : i32
      scf.if %cond3A_344 {
        %dma_wait3A_634 = arith.constant 1 : i32
        %dma_wait3A_635 = arith.constant 0 : i32
        %dma_wait3A_636 = arith.constant 0 : i32
        %dma_wait3A_637 = tpu.memref_slice %arg6[%dma_wait3A_634, %dma_wait3A_635, %dma_wait3A_636] : memref<2x1600x32xf32, #tpu.memory_space<vmem>> -> memref<1x1600x32xf32, #tpu.memory_space<vmem>>
        %dma_wait3A_638 = tpu.memref_squeeze %dma_wait3A_637 : memref<1x1600x32xf32, #tpu.memory_space<vmem>> -> memref<1600x32xf32, #tpu.memory_space<vmem>>
        %dma_wait3A_639 = arith.constant 0 : i32
        %dma_wait3A_640 = arith.constant 0 : i32
        %dma_wait3A_641 = tpu.memref_slice %arg4[%dma_wait3A_639, %dma_wait3A_640] : memref<3276800x32xf32, #tpu.memory_space<hbm>> -> memref<1600x32xf32, #tpu.memory_space<hbm>>
        %dma_wait3A_642 = arith.constant 0 : i32
        %dma_wait3A_643 = arith.constant 0 : i32
        %dma_wait3A_644 = tpu.memref_slice %arg6[%dma_wait3A_634, %dma_wait3A_642, %dma_wait3A_643] : memref<2x1600x32xf32, #tpu.memory_space<vmem>> -> memref<1x1600x32xf32, #tpu.memory_space<vmem>>
        %dma_wait3A_645 = tpu.memref_squeeze %dma_wait3A_644 : memref<1x1600x32xf32, #tpu.memory_space<vmem>> -> memref<1600x32xf32, #tpu.memory_space<vmem>>
        %dma_wait3A_646 = arith.constant 0 : i32
        %dma_wait3A_647 = arith.constant 0 : i32
        %dma_wait3A_648 = tpu.memref_slice %arg4[%dma_wait3A_646, %dma_wait3A_647] : memref<3276800x32xf32, #tpu.memory_space<hbm>> -> memref<1600x32xf32, #tpu.memory_space<hbm>>
        tpu.wait_dma2 semaphore(%arg8 : memref<!tpu.dma_semaphore, #tpu.memory_space<semaphore_mem>>) src(%dma_wait3A_648 : memref<1600x32xf32, #tpu.memory_space<hbm>>) dst(%dma_wait3A_645 : memref<1600x32xf32, #tpu.memory_space<vmem>>)
        %sub3A = arith.constant 8 : i32
        %sub3A_649 = arith.subi %add3A_76, %sub3A : i32
        %mul3A_650 = arith.constant 200 : i32
        %mul3A_651 = arith.muli %sub3A_649, %mul3A_650 : i32
        %dma_start3A_652 = arith.constant 1 : i32
        %dma_start3A_653 = arith.constant 0 : i32
        %dma_start3A_654 = arith.constant 0 : i32
        %dma_start3A_655 = tpu.memref_slice %arg6[%dma_start3A_652, %dma_start3A_653, %dma_start3A_654] : memref<2x1600x32xf32, #tpu.memory_space<vmem>> -> memref<1x1600x32xf32, #tpu.memory_space<vmem>>
        %dma_start3A_656 = tpu.memref_squeeze %dma_start3A_655 : memref<1x1600x32xf32, #tpu.memory_space<vmem>> -> memref<1600x32xf32, #tpu.memory_space<vmem>>
        %dma_start3A_657 = arith.constant 0 : i32
        %dma_start3A_658 = tpu.memref_slice %arg4[%mul3A_651, %dma_start3A_657] : memref<3276800x32xf32, #tpu.memory_space<hbm>> -> memref<1600x32xf32, #tpu.memory_space<hbm>>
        %dma_start3A_659 = arith.constant 0 : i32
        %dma_start3A_660 = tpu.memref_slice %arg4[%mul3A_651, %dma_start3A_659] : memref<3276800x32xf32, #tpu.memory_space<hbm>> -> memref<1600x32xf32, #tpu.memory_space<hbm>>
        %dma_start3A_661 = arith.constant 0 : i32
        %dma_start3A_662 = arith.constant 0 : i32
        %dma_start3A_663 = tpu.memref_slice %arg6[%dma_start3A_652, %dma_start3A_661, %dma_start3A_662] : memref<2x1600x32xf32, #tpu.memory_space<vmem>> -> memref<1x1600x32xf32, #tpu.memory_space<vmem>>
        %dma_start3A_664 = tpu.memref_squeeze %dma_start3A_663 : memref<1x1600x32xf32, #tpu.memory_space<vmem>> -> memref<1600x32xf32, #tpu.memory_space<vmem>>
        tpu.enqueue_dma source(%dma_start3A_664 : memref<1600x32xf32, #tpu.memory_space<vmem>>) target(%dma_start3A_660 : memref<1600x32xf32, #tpu.memory_space<hbm>>) target_semaphore(%arg11 : memref<!tpu.dma_semaphore, #tpu.memory_space<semaphore_mem>>)
      } else {
      }
      %add3A_345 = arith.constant 1 : i32
      %add3A_346 = arith.addi %add3A_73, %add3A_345 : i32
      %lt3A = arith.constant 64 : i32
      %lt3A_347 = arith.cmpi slt, %add3A_346, %lt3A : i32
      %convert_element_type3A_348 = arith.extui %lt3A_347 : i1 to i32
      %cond3A_349 = arith.constant 0 : i32
      %cond3A_350 = arith.cmpi ne, %convert_element_type3A_348, %cond3A_349 : i32
      scf.if %cond3A_350 {
        %add3A_634 = arith.constant 8 : i32
        %add3A_635 = arith.addi %add3A_76, %add3A_634 : i32
        %dma_start3A_636 = arith.constant 1 : i32
        %dma_start3A_637 = arith.constant 0 : i32
        %dma_start3A_638 = arith.constant 0 : i32
        %dma_start3A_639 = tpu.memref_slice %arg5[%dma_start3A_636, %dma_start3A_637, %dma_start3A_638] : memref<2x8x200xi32, #tpu.memory_space<vmem>> -> memref<1x8x200xi32, #tpu.memory_space<vmem>>
        %dma_start3A_640 = tpu.memref_squeeze %dma_start3A_639 : memref<1x8x200xi32, #tpu.memory_space<vmem>> -> memref<8x200xi32, #tpu.memory_space<vmem>>
        %dma_start3A_641 = arith.constant 0 : i32
        %dma_start3A_642 = tpu.memref_slice %arg2[%add3A_635, %dma_start3A_641] : memref<16384x200xi32, #tpu.memory_space<hbm>> -> memref<8x200xi32, #tpu.memory_space<hbm>>
        %dma_start3A_643 = arith.constant 0 : i32
        %dma_start3A_644 = arith.constant 0 : i32
        %dma_start3A_645 = tpu.memref_slice %arg5[%dma_start3A_636, %dma_start3A_643, %dma_start3A_644] : memref<2x8x200xi32, #tpu.memory_space<vmem>> -> memref<1x8x200xi32, #tpu.memory_space<vmem>>
        %dma_start3A_646 = tpu.memref_squeeze %dma_start3A_645 : memref<1x8x200xi32, #tpu.memory_space<vmem>> -> memref<8x200xi32, #tpu.memory_space<vmem>>
        %dma_start3A_647 = arith.constant 0 : i32
        %dma_start3A_648 = tpu.memref_slice %arg2[%add3A_635, %dma_start3A_647] : memref<16384x200xi32, #tpu.memory_space<hbm>> -> memref<8x200xi32, #tpu.memory_space<hbm>>
        tpu.enqueue_dma source(%dma_start3A_648 : memref<8x200xi32, #tpu.memory_space<hbm>>) target(%dma_start3A_646 : memref<8x200xi32, #tpu.memory_space<vmem>>) target_semaphore(%arg9 : memref<!tpu.dma_semaphore, #tpu.memory_space<semaphore_mem>>)
      } else {
      }
      %add3A_351 = arith.constant 1 : i32
      %add3A_352 = arith.addi %add3A_71, %add3A_351 : i32
      %mul3A_353 = arith.constant 8 : i32
      %mul3A_354 = arith.muli %add3A_352, %mul3A_353 : i32
      %add3A_355 = arith.addi %mul3A_2, %mul3A_354 : i32
      %ge3A_356 = arith.constant 1 : i32
      %ge3A_357 = arith.cmpi sge, %add3A_352, %ge3A_356 : i32
      %convert_element_type3A_358 = arith.extui %ge3A_357 : i1 to i32
      %cond3A_359 = arith.constant 0 : i32
      %cond3A_360 = arith.cmpi ne, %convert_element_type3A_358, %cond3A_359 : i32
      scf.if %cond3A_360 {
        %dma_wait3A_634 = arith.constant 1 : i32
        %dma_wait3A_635 = arith.constant 0 : i32
        %dma_wait3A_636 = arith.constant 0 : i32
        %dma_wait3A_637 = tpu.memref_slice %arg5[%dma_wait3A_634, %dma_wait3A_635, %dma_wait3A_636] : memref<2x8x200xi32, #tpu.memory_space<vmem>> -> memref<1x8x200xi32, #tpu.memory_space<vmem>>
        %dma_wait3A_638 = tpu.memref_squeeze %dma_wait3A_637 : memref<1x8x200xi32, #tpu.memory_space<vmem>> -> memref<8x200xi32, #tpu.memory_space<vmem>>
        %dma_wait3A_639 = arith.constant 0 : i32
        %dma_wait3A_640 = arith.constant 0 : i32
        %dma_wait3A_641 = tpu.memref_slice %arg2[%dma_wait3A_639, %dma_wait3A_640] : memref<16384x200xi32, #tpu.memory_space<hbm>> -> memref<8x200xi32, #tpu.memory_space<hbm>>
        %dma_wait3A_642 = arith.constant 0 : i32
        %dma_wait3A_643 = arith.constant 0 : i32
        %dma_wait3A_644 = tpu.memref_slice %arg5[%dma_wait3A_634, %dma_wait3A_642, %dma_wait3A_643] : memref<2x8x200xi32, #tpu.memory_space<vmem>> -> memref<1x8x200xi32, #tpu.memory_space<vmem>>
        %dma_wait3A_645 = tpu.memref_squeeze %dma_wait3A_644 : memref<1x8x200xi32, #tpu.memory_space<vmem>> -> memref<8x200xi32, #tpu.memory_space<vmem>>
        %dma_wait3A_646 = arith.constant 0 : i32
        %dma_wait3A_647 = arith.constant 0 : i32
        %dma_wait3A_648 = tpu.memref_slice %arg2[%dma_wait3A_646, %dma_wait3A_647] : memref<16384x200xi32, #tpu.memory_space<hbm>> -> memref<8x200xi32, #tpu.memory_space<hbm>>
        tpu.wait_dma2 semaphore(%arg9 : memref<!tpu.dma_semaphore, #tpu.memory_space<semaphore_mem>>) src(%dma_wait3A_648 : memref<8x200xi32, #tpu.memory_space<hbm>>) dst(%dma_wait3A_645 : memref<8x200xi32, #tpu.memory_space<vmem>>)
      } else {
      }
      %ge3A_361 = arith.constant 2 : i32
      %ge3A_362 = arith.cmpi sge, %add3A_352, %ge3A_361 : i32
      %convert_element_type3A_363 = arith.extui %ge3A_362 : i1 to i32
      %cond3A_364 = arith.constant 0 : i32
      %cond3A_365 = arith.cmpi ne, %convert_element_type3A_363, %cond3A_364 : i32
      scf.if %cond3A_365 {
        %dma_wait3A_634 = arith.constant 1 : i32
        %dma_wait3A_635 = arith.constant 0 : i32
        %dma_wait3A_636 = arith.constant 0 : i32
        %dma_wait3A_637 = tpu.memref_slice %arg6[%dma_wait3A_634, %dma_wait3A_635, %dma_wait3A_636] : memref<2x1600x32xf32, #tpu.memory_space<vmem>> -> memref<1x1600x32xf32, #tpu.memory_space<vmem>>
        %dma_wait3A_638 = tpu.memref_squeeze %dma_wait3A_637 : memref<1x1600x32xf32, #tpu.memory_space<vmem>> -> memref<1600x32xf32, #tpu.memory_space<vmem>>
        %dma_wait3A_639 = arith.constant 0 : i32
        %dma_wait3A_640 = arith.constant 0 : i32
        %dma_wait3A_641 = tpu.memref_slice %arg4[%dma_wait3A_639, %dma_wait3A_640] : memref<3276800x32xf32, #tpu.memory_space<hbm>> -> memref<1600x32xf32, #tpu.memory_space<hbm>>
        %dma_wait3A_642 = arith.constant 0 : i32
        %dma_wait3A_643 = arith.constant 0 : i32
        %dma_wait3A_644 = tpu.memref_slice %arg4[%dma_wait3A_642, %dma_wait3A_643] : memref<3276800x32xf32, #tpu.memory_space<hbm>> -> memref<1600x32xf32, #tpu.memory_space<hbm>>
        %dma_wait3A_645 = arith.constant 0 : i32
        %dma_wait3A_646 = arith.constant 0 : i32
        %dma_wait3A_647 = tpu.memref_slice %arg6[%dma_wait3A_634, %dma_wait3A_645, %dma_wait3A_646] : memref<2x1600x32xf32, #tpu.memory_space<vmem>> -> memref<1x1600x32xf32, #tpu.memory_space<vmem>>
        %dma_wait3A_648 = tpu.memref_squeeze %dma_wait3A_647 : memref<1x1600x32xf32, #tpu.memory_space<vmem>> -> memref<1600x32xf32, #tpu.memory_space<vmem>>
        tpu.wait_dma2 semaphore(%arg11 : memref<!tpu.dma_semaphore, #tpu.memory_space<semaphore_mem>>) src(%dma_wait3A_648 : memref<1600x32xf32, #tpu.memory_space<vmem>>) dst(%dma_wait3A_644 : memref<1600x32xf32, #tpu.memory_space<hbm>>)
      } else {
      }
      %dma_start3A_366 = arith.constant 1 : i32
      %dma_start3A_367 = arith.constant 0 : i32
      %dma_start3A_368 = arith.constant 1 : i32
      %dma_start3A_369 = arith.constant 0 : i32
      %dma_start3A_370 = arith.constant 0 : i32
      %dma_start3A_371 = tpu.memref_slice %arg6[%dma_start3A_368, %dma_start3A_369, %dma_start3A_370] : memref<2x1600x32xf32, #tpu.memory_space<vmem>> -> memref<1x1600x32xf32, #tpu.memory_space<vmem>>
      %dma_start3A_372 = tpu.memref_squeeze %dma_start3A_371 : memref<1x1600x32xf32, #tpu.memory_space<vmem>> -> memref<1600x32xf32, #tpu.memory_space<vmem>>
      %dma_start3A_373 = arith.constant 0 : i32
      %dma_start3A_374 = arith.constant 0 : i32
      %dma_start3A_375 = tpu.memref_slice %dma_start3A_372[%dma_start3A_373, %dma_start3A_374] : memref<1600x32xf32, #tpu.memory_space<vmem>> -> memref<128x32xf32, #tpu.memory_space<vmem>>
      %dma_start3A_376 = arith.constant 0 : i32
      %dma_start3A_377 = tpu.memref_slice %arg5[%dma_start3A_366, %dma_start3A_367, %dma_start3A_376] : memref<2x8x200xi32, #tpu.memory_space<vmem>> -> memref<1x1x128xi32, #tpu.memory_space<vmem>>
      %dma_start3A_378 = tpu.memref_squeeze %dma_start3A_377 : memref<1x1x128xi32, #tpu.memory_space<vmem>> -> memref<128xi32, #tpu.memory_space<vmem>>
      %dma_start3A_379 = arith.constant 0 : i32
      %dma_start3A_380 = arith.constant 0 : i32
      %dma_start3A_381 = tpu.memref_slice %arg3[%dma_start3A_379, %dma_start3A_380] : memref<4000000x32xf32, #tpu.memory_space<hbm>> -> memref<4000000x32xf32, #tpu.memory_space<hbm>>
      tpu.enqueue_indirect_dma source(%dma_start3A_381 : memref<4000000x32xf32, #tpu.memory_space<hbm>>) target(%dma_start3A_375 : memref<128x32xf32, #tpu.memory_space<vmem>>) offsets(%dma_start3A_378 : memref<128xi32, #tpu.memory_space<vmem>>) semaphore(%arg8 : memref<!tpu.dma_semaphore, #tpu.memory_space<semaphore_mem>>)
      %dma_start3A_382 = arith.constant 1 : i32
      %dma_start3A_383 = arith.constant 0 : i32
      %dma_start3A_384 = arith.constant 1 : i32
      %dma_start3A_385 = arith.constant 0 : i32
      %dma_start3A_386 = arith.constant 0 : i32
      %dma_start3A_387 = tpu.memref_slice %arg6[%dma_start3A_384, %dma_start3A_385, %dma_start3A_386] : memref<2x1600x32xf32, #tpu.memory_space<vmem>> -> memref<1x1600x32xf32, #tpu.memory_space<vmem>>
      %dma_start3A_388 = tpu.memref_squeeze %dma_start3A_387 : memref<1x1600x32xf32, #tpu.memory_space<vmem>> -> memref<1600x32xf32, #tpu.memory_space<vmem>>
      %dma_start3A_389 = arith.constant 128 : i32
      %dma_start3A_390 = arith.constant 0 : i32
      %dma_start3A_391 = tpu.memref_slice %dma_start3A_388[%dma_start3A_389, %dma_start3A_390] : memref<1600x32xf32, #tpu.memory_space<vmem>> -> memref<72x32xf32, #tpu.memory_space<vmem>>
      %dma_start3A_392 = arith.constant 128 : i32
      %dma_start3A_393 = tpu.memref_slice %arg5[%dma_start3A_382, %dma_start3A_383, %dma_start3A_392] : memref<2x8x200xi32, #tpu.memory_space<vmem>> -> memref<1x1x72xi32, #tpu.memory_space<vmem>>
      %dma_start3A_394 = tpu.memref_squeeze %dma_start3A_393 : memref<1x1x72xi32, #tpu.memory_space<vmem>> -> memref<72xi32, #tpu.memory_space<vmem>>
      %dma_start3A_395 = arith.constant 0 : i32
      %dma_start3A_396 = arith.constant 0 : i32
      %dma_start3A_397 = tpu.memref_slice %arg3[%dma_start3A_395, %dma_start3A_396] : memref<4000000x32xf32, #tpu.memory_space<hbm>> -> memref<4000000x32xf32, #tpu.memory_space<hbm>>
      tpu.enqueue_indirect_dma source(%dma_start3A_397 : memref<4000000x32xf32, #tpu.memory_space<hbm>>) target(%dma_start3A_391 : memref<72x32xf32, #tpu.memory_space<vmem>>) offsets(%dma_start3A_394 : memref<72xi32, #tpu.memory_space<vmem>>) semaphore(%arg8 : memref<!tpu.dma_semaphore, #tpu.memory_space<semaphore_mem>>)
      %dma_start3A_398 = arith.constant 1 : i32
      %dma_start3A_399 = arith.constant 1 : i32
      %dma_start3A_400 = arith.constant 1 : i32
      %dma_start3A_401 = arith.constant 0 : i32
      %dma_start3A_402 = arith.constant 0 : i32
      %dma_start3A_403 = tpu.memref_slice %arg6[%dma_start3A_400, %dma_start3A_401, %dma_start3A_402] : memref<2x1600x32xf32, #tpu.memory_space<vmem>> -> memref<1x1600x32xf32, #tpu.memory_space<vmem>>
      %dma_start3A_404 = tpu.memref_squeeze %dma_start3A_403 : memref<1x1600x32xf32, #tpu.memory_space<vmem>> -> memref<1600x32xf32, #tpu.memory_space<vmem>>
      %dma_start3A_405 = arith.constant 200 : i32
      %dma_start3A_406 = arith.constant 0 : i32
      %dma_start3A_407 = tpu.memref_slice %dma_start3A_404[%dma_start3A_405, %dma_start3A_406] : memref<1600x32xf32, #tpu.memory_space<vmem>> -> memref<128x32xf32, #tpu.memory_space<vmem>>
      %dma_start3A_408 = arith.constant 0 : i32
      %dma_start3A_409 = tpu.memref_slice %arg5[%dma_start3A_398, %dma_start3A_399, %dma_start3A_408] : memref<2x8x200xi32, #tpu.memory_space<vmem>> -> memref<1x1x128xi32, #tpu.memory_space<vmem>>
      %dma_start3A_410 = tpu.memref_squeeze %dma_start3A_409 : memref<1x1x128xi32, #tpu.memory_space<vmem>> -> memref<128xi32, #tpu.memory_space<vmem>>
      %dma_start3A_411 = arith.constant 0 : i32
      %dma_start3A_412 = arith.constant 0 : i32
      %dma_start3A_413 = tpu.memref_slice %arg3[%dma_start3A_411, %dma_start3A_412] : memref<4000000x32xf32, #tpu.memory_space<hbm>> -> memref<4000000x32xf32, #tpu.memory_space<hbm>>
      tpu.enqueue_indirect_dma source(%dma_start3A_413 : memref<4000000x32xf32, #tpu.memory_space<hbm>>) target(%dma_start3A_407 : memref<128x32xf32, #tpu.memory_space<vmem>>) offsets(%dma_start3A_410 : memref<128xi32, #tpu.memory_space<vmem>>) semaphore(%arg8 : memref<!tpu.dma_semaphore, #tpu.memory_space<semaphore_mem>>)
      %dma_start3A_414 = arith.constant 1 : i32
      %dma_start3A_415 = arith.constant 1 : i32
      %dma_start3A_416 = arith.constant 1 : i32
      %dma_start3A_417 = arith.constant 0 : i32
      %dma_start3A_418 = arith.constant 0 : i32
      %dma_start3A_419 = tpu.memref_slice %arg6[%dma_start3A_416, %dma_start3A_417, %dma_start3A_418] : memref<2x1600x32xf32, #tpu.memory_space<vmem>> -> memref<1x1600x32xf32, #tpu.memory_space<vmem>>
      %dma_start3A_420 = tpu.memref_squeeze %dma_start3A_419 : memref<1x1600x32xf32, #tpu.memory_space<vmem>> -> memref<1600x32xf32, #tpu.memory_space<vmem>>
      %dma_start3A_421 = arith.constant 328 : i32
      %dma_start3A_422 = arith.constant 0 : i32
      %dma_start3A_423 = tpu.memref_slice %dma_start3A_420[%dma_start3A_421, %dma_start3A_422] : memref<1600x32xf32, #tpu.memory_space<vmem>> -> memref<72x32xf32, #tpu.memory_space<vmem>>
      %dma_start3A_424 = arith.constant 128 : i32
      %dma_start3A_425 = tpu.memref_slice %arg5[%dma_start3A_414, %dma_start3A_415, %dma_start3A_424] : memref<2x8x200xi32, #tpu.memory_space<vmem>> -> memref<1x1x72xi32, #tpu.memory_space<vmem>>
      %dma_start3A_426 = tpu.memref_squeeze %dma_start3A_425 : memref<1x1x72xi32, #tpu.memory_space<vmem>> -> memref<72xi32, #tpu.memory_space<vmem>>
      %dma_start3A_427 = arith.constant 0 : i32
      %dma_start3A_428 = arith.constant 0 : i32
      %dma_start3A_429 = tpu.memref_slice %arg3[%dma_start3A_427, %dma_start3A_428] : memref<4000000x32xf32, #tpu.memory_space<hbm>> -> memref<4000000x32xf32, #tpu.memory_space<hbm>>
      tpu.enqueue_indirect_dma source(%dma_start3A_429 : memref<4000000x32xf32, #tpu.memory_space<hbm>>) target(%dma_start3A_423 : memref<72x32xf32, #tpu.memory_space<vmem>>) offsets(%dma_start3A_426 : memref<72xi32, #tpu.memory_space<vmem>>) semaphore(%arg8 : memref<!tpu.dma_semaphore, #tpu.memory_space<semaphore_mem>>)
      %dma_start3A_430 = arith.constant 1 : i32
      %dma_start3A_431 = arith.constant 2 : i32
      %dma_start3A_432 = arith.constant 1 : i32
      %dma_start3A_433 = arith.constant 0 : i32
      %dma_start3A_434 = arith.constant 0 : i32
      %dma_start3A_435 = tpu.memref_slice %arg6[%dma_start3A_432, %dma_start3A_433, %dma_start3A_434] : memref<2x1600x32xf32, #tpu.memory_space<vmem>> -> memref<1x1600x32xf32, #tpu.memory_space<vmem>>
      %dma_start3A_436 = tpu.memref_squeeze %dma_start3A_435 : memref<1x1600x32xf32, #tpu.memory_space<vmem>> -> memref<1600x32xf32, #tpu.memory_space<vmem>>
      %dma_start3A_437 = arith.constant 400 : i32
      %dma_start3A_438 = arith.constant 0 : i32
      %dma_start3A_439 = tpu.memref_slice %dma_start3A_436[%dma_start3A_437, %dma_start3A_438] : memref<1600x32xf32, #tpu.memory_space<vmem>> -> memref<128x32xf32, #tpu.memory_space<vmem>>
      %dma_start3A_440 = arith.constant 0 : i32
      %dma_start3A_441 = tpu.memref_slice %arg5[%dma_start3A_430, %dma_start3A_431, %dma_start3A_440] : memref<2x8x200xi32, #tpu.memory_space<vmem>> -> memref<1x1x128xi32, #tpu.memory_space<vmem>>
      %dma_start3A_442 = tpu.memref_squeeze %dma_start3A_441 : memref<1x1x128xi32, #tpu.memory_space<vmem>> -> memref<128xi32, #tpu.memory_space<vmem>>
      %dma_start3A_443 = arith.constant 0 : i32
      %dma_start3A_444 = arith.constant 0 : i32
      %dma_start3A_445 = tpu.memref_slice %arg3[%dma_start3A_443, %dma_start3A_444] : memref<4000000x32xf32, #tpu.memory_space<hbm>> -> memref<4000000x32xf32, #tpu.memory_space<hbm>>
      tpu.enqueue_indirect_dma source(%dma_start3A_445 : memref<4000000x32xf32, #tpu.memory_space<hbm>>) target(%dma_start3A_439 : memref<128x32xf32, #tpu.memory_space<vmem>>) offsets(%dma_start3A_442 : memref<128xi32, #tpu.memory_space<vmem>>) semaphore(%arg8 : memref<!tpu.dma_semaphore, #tpu.memory_space<semaphore_mem>>)
      %dma_start3A_446 = arith.constant 1 : i32
      %dma_start3A_447 = arith.constant 2 : i32
      %dma_start3A_448 = arith.constant 1 : i32
      %dma_start3A_449 = arith.constant 0 : i32
      %dma_start3A_450 = arith.constant 0 : i32
      %dma_start3A_451 = tpu.memref_slice %arg6[%dma_start3A_448, %dma_start3A_449, %dma_start3A_450] : memref<2x1600x32xf32, #tpu.memory_space<vmem>> -> memref<1x1600x32xf32, #tpu.memory_space<vmem>>
      %dma_start3A_452 = tpu.memref_squeeze %dma_start3A_451 : memref<1x1600x32xf32, #tpu.memory_space<vmem>> -> memref<1600x32xf32, #tpu.memory_space<vmem>>
      %dma_start3A_453 = arith.constant 528 : i32
      %dma_start3A_454 = arith.constant 0 : i32
      %dma_start3A_455 = tpu.memref_slice %dma_start3A_452[%dma_start3A_453, %dma_start3A_454] : memref<1600x32xf32, #tpu.memory_space<vmem>> -> memref<72x32xf32, #tpu.memory_space<vmem>>
      %dma_start3A_456 = arith.constant 128 : i32
      %dma_start3A_457 = tpu.memref_slice %arg5[%dma_start3A_446, %dma_start3A_447, %dma_start3A_456] : memref<2x8x200xi32, #tpu.memory_space<vmem>> -> memref<1x1x72xi32, #tpu.memory_space<vmem>>
      %dma_start3A_458 = tpu.memref_squeeze %dma_start3A_457 : memref<1x1x72xi32, #tpu.memory_space<vmem>> -> memref<72xi32, #tpu.memory_space<vmem>>
      %dma_start3A_459 = arith.constant 0 : i32
      %dma_start3A_460 = arith.constant 0 : i32
      %dma_start3A_461 = tpu.memref_slice %arg3[%dma_start3A_459, %dma_start3A_460] : memref<4000000x32xf32, #tpu.memory_space<hbm>> -> memref<4000000x32xf32, #tpu.memory_space<hbm>>
      tpu.enqueue_indirect_dma source(%dma_start3A_461 : memref<4000000x32xf32, #tpu.memory_space<hbm>>) target(%dma_start3A_455 : memref<72x32xf32, #tpu.memory_space<vmem>>) offsets(%dma_start3A_458 : memref<72xi32, #tpu.memory_space<vmem>>) semaphore(%arg8 : memref<!tpu.dma_semaphore, #tpu.memory_space<semaphore_mem>>)
      %dma_start3A_462 = arith.constant 1 : i32
      %dma_start3A_463 = arith.constant 3 : i32
      %dma_start3A_464 = arith.constant 1 : i32
      %dma_start3A_465 = arith.constant 0 : i32
      %dma_start3A_466 = arith.constant 0 : i32
      %dma_start3A_467 = tpu.memref_slice %arg6[%dma_start3A_464, %dma_start3A_465, %dma_start3A_466] : memref<2x1600x32xf32, #tpu.memory_space<vmem>> -> memref<1x1600x32xf32, #tpu.memory_space<vmem>>
      %dma_start3A_468 = tpu.memref_squeeze %dma_start3A_467 : memref<1x1600x32xf32, #tpu.memory_space<vmem>> -> memref<1600x32xf32, #tpu.memory_space<vmem>>
      %dma_start3A_469 = arith.constant 600 : i32
      %dma_start3A_470 = arith.constant 0 : i32
      %dma_start3A_471 = tpu.memref_slice %dma_start3A_468[%dma_start3A_469, %dma_start3A_470] : memref<1600x32xf32, #tpu.memory_space<vmem>> -> memref<128x32xf32, #tpu.memory_space<vmem>>
      %dma_start3A_472 = arith.constant 0 : i32
      %dma_start3A_473 = tpu.memref_slice %arg5[%dma_start3A_462, %dma_start3A_463, %dma_start3A_472] : memref<2x8x200xi32, #tpu.memory_space<vmem>> -> memref<1x1x128xi32, #tpu.memory_space<vmem>>
      %dma_start3A_474 = tpu.memref_squeeze %dma_start3A_473 : memref<1x1x128xi32, #tpu.memory_space<vmem>> -> memref<128xi32, #tpu.memory_space<vmem>>
      %dma_start3A_475 = arith.constant 0 : i32
      %dma_start3A_476 = arith.constant 0 : i32
      %dma_start3A_477 = tpu.memref_slice %arg3[%dma_start3A_475, %dma_start3A_476] : memref<4000000x32xf32, #tpu.memory_space<hbm>> -> memref<4000000x32xf32, #tpu.memory_space<hbm>>
      tpu.enqueue_indirect_dma source(%dma_start3A_477 : memref<4000000x32xf32, #tpu.memory_space<hbm>>) target(%dma_start3A_471 : memref<128x32xf32, #tpu.memory_space<vmem>>) offsets(%dma_start3A_474 : memref<128xi32, #tpu.memory_space<vmem>>) semaphore(%arg8 : memref<!tpu.dma_semaphore, #tpu.memory_space<semaphore_mem>>)
      %dma_start3A_478 = arith.constant 1 : i32
      %dma_start3A_479 = arith.constant 3 : i32
      %dma_start3A_480 = arith.constant 1 : i32
      %dma_start3A_481 = arith.constant 0 : i32
      %dma_start3A_482 = arith.constant 0 : i32
      %dma_start3A_483 = tpu.memref_slice %arg6[%dma_start3A_480, %dma_start3A_481, %dma_start3A_482] : memref<2x1600x32xf32, #tpu.memory_space<vmem>> -> memref<1x1600x32xf32, #tpu.memory_space<vmem>>
      %dma_start3A_484 = tpu.memref_squeeze %dma_start3A_483 : memref<1x1600x32xf32, #tpu.memory_space<vmem>> -> memref<1600x32xf32, #tpu.memory_space<vmem>>
      %dma_start3A_485 = arith.constant 728 : i32
      %dma_start3A_486 = arith.constant 0 : i32
      %dma_start3A_487 = tpu.memref_slice %dma_start3A_484[%dma_start3A_485, %dma_start3A_486] : memref<1600x32xf32, #tpu.memory_space<vmem>> -> memref<72x32xf32, #tpu.memory_space<vmem>>
      %dma_start3A_488 = arith.constant 128 : i32
      %dma_start3A_489 = tpu.memref_slice %arg5[%dma_start3A_478, %dma_start3A_479, %dma_start3A_488] : memref<2x8x200xi32, #tpu.memory_space<vmem>> -> memref<1x1x72xi32, #tpu.memory_space<vmem>>
      %dma_start3A_490 = tpu.memref_squeeze %dma_start3A_489 : memref<1x1x72xi32, #tpu.memory_space<vmem>> -> memref<72xi32, #tpu.memory_space<vmem>>
      %dma_start3A_491 = arith.constant 0 : i32
      %dma_start3A_492 = arith.constant 0 : i32
      %dma_start3A_493 = tpu.memref_slice %arg3[%dma_start3A_491, %dma_start3A_492] : memref<4000000x32xf32, #tpu.memory_space<hbm>> -> memref<4000000x32xf32, #tpu.memory_space<hbm>>
      tpu.enqueue_indirect_dma source(%dma_start3A_493 : memref<4000000x32xf32, #tpu.memory_space<hbm>>) target(%dma_start3A_487 : memref<72x32xf32, #tpu.memory_space<vmem>>) offsets(%dma_start3A_490 : memref<72xi32, #tpu.memory_space<vmem>>) semaphore(%arg8 : memref<!tpu.dma_semaphore, #tpu.memory_space<semaphore_mem>>)
      %dma_start3A_494 = arith.constant 1 : i32
      %dma_start3A_495 = arith.constant 4 : i32
      %dma_start3A_496 = arith.constant 1 : i32
      %dma_start3A_497 = arith.constant 0 : i32
      %dma_start3A_498 = arith.constant 0 : i32
      %dma_start3A_499 = tpu.memref_slice %arg6[%dma_start3A_496, %dma_start3A_497, %dma_start3A_498] : memref<2x1600x32xf32, #tpu.memory_space<vmem>> -> memref<1x1600x32xf32, #tpu.memory_space<vmem>>
      %dma_start3A_500 = tpu.memref_squeeze %dma_start3A_499 : memref<1x1600x32xf32, #tpu.memory_space<vmem>> -> memref<1600x32xf32, #tpu.memory_space<vmem>>
      %dma_start3A_501 = arith.constant 800 : i32
      %dma_start3A_502 = arith.constant 0 : i32
      %dma_start3A_503 = tpu.memref_slice %dma_start3A_500[%dma_start3A_501, %dma_start3A_502] : memref<1600x32xf32, #tpu.memory_space<vmem>> -> memref<128x32xf32, #tpu.memory_space<vmem>>
      %dma_start3A_504 = arith.constant 0 : i32
      %dma_start3A_505 = tpu.memref_slice %arg5[%dma_start3A_494, %dma_start3A_495, %dma_start3A_504] : memref<2x8x200xi32, #tpu.memory_space<vmem>> -> memref<1x1x128xi32, #tpu.memory_space<vmem>>
      %dma_start3A_506 = tpu.memref_squeeze %dma_start3A_505 : memref<1x1x128xi32, #tpu.memory_space<vmem>> -> memref<128xi32, #tpu.memory_space<vmem>>
      %dma_start3A_507 = arith.constant 0 : i32
      %dma_start3A_508 = arith.constant 0 : i32
      %dma_start3A_509 = tpu.memref_slice %arg3[%dma_start3A_507, %dma_start3A_508] : memref<4000000x32xf32, #tpu.memory_space<hbm>> -> memref<4000000x32xf32, #tpu.memory_space<hbm>>
      tpu.enqueue_indirect_dma source(%dma_start3A_509 : memref<4000000x32xf32, #tpu.memory_space<hbm>>) target(%dma_start3A_503 : memref<128x32xf32, #tpu.memory_space<vmem>>) offsets(%dma_start3A_506 : memref<128xi32, #tpu.memory_space<vmem>>) semaphore(%arg8 : memref<!tpu.dma_semaphore, #tpu.memory_space<semaphore_mem>>)
      %dma_start3A_510 = arith.constant 1 : i32
      %dma_start3A_511 = arith.constant 4 : i32
      %dma_start3A_512 = arith.constant 1 : i32
      %dma_start3A_513 = arith.constant 0 : i32
      %dma_start3A_514 = arith.constant 0 : i32
      %dma_start3A_515 = tpu.memref_slice %arg6[%dma_start3A_512, %dma_start3A_513, %dma_start3A_514] : memref<2x1600x32xf32, #tpu.memory_space<vmem>> -> memref<1x1600x32xf32, #tpu.memory_space<vmem>>
      %dma_start3A_516 = tpu.memref_squeeze %dma_start3A_515 : memref<1x1600x32xf32, #tpu.memory_space<vmem>> -> memref<1600x32xf32, #tpu.memory_space<vmem>>
      %dma_start3A_517 = arith.constant 928 : i32
      %dma_start3A_518 = arith.constant 0 : i32
      %dma_start3A_519 = tpu.memref_slice %dma_start3A_516[%dma_start3A_517, %dma_start3A_518] : memref<1600x32xf32, #tpu.memory_space<vmem>> -> memref<72x32xf32, #tpu.memory_space<vmem>>
      %dma_start3A_520 = arith.constant 128 : i32
      %dma_start3A_521 = tpu.memref_slice %arg5[%dma_start3A_510, %dma_start3A_511, %dma_start3A_520] : memref<2x8x200xi32, #tpu.memory_space<vmem>> -> memref<1x1x72xi32, #tpu.memory_space<vmem>>
      %dma_start3A_522 = tpu.memref_squeeze %dma_start3A_521 : memref<1x1x72xi32, #tpu.memory_space<vmem>> -> memref<72xi32, #tpu.memory_space<vmem>>
      %dma_start3A_523 = arith.constant 0 : i32
      %dma_start3A_524 = arith.constant 0 : i32
      %dma_start3A_525 = tpu.memref_slice %arg3[%dma_start3A_523, %dma_start3A_524] : memref<4000000x32xf32, #tpu.memory_space<hbm>> -> memref<4000000x32xf32, #tpu.memory_space<hbm>>
      tpu.enqueue_indirect_dma source(%dma_start3A_525 : memref<4000000x32xf32, #tpu.memory_space<hbm>>) target(%dma_start3A_519 : memref<72x32xf32, #tpu.memory_space<vmem>>) offsets(%dma_start3A_522 : memref<72xi32, #tpu.memory_space<vmem>>) semaphore(%arg8 : memref<!tpu.dma_semaphore, #tpu.memory_space<semaphore_mem>>)
      %dma_start3A_526 = arith.constant 1 : i32
      %dma_start3A_527 = arith.constant 5 : i32
      %dma_start3A_528 = arith.constant 1 : i32
      %dma_start3A_529 = arith.constant 0 : i32
      %dma_start3A_530 = arith.constant 0 : i32
      %dma_start3A_531 = tpu.memref_slice %arg6[%dma_start3A_528, %dma_start3A_529, %dma_start3A_530] : memref<2x1600x32xf32, #tpu.memory_space<vmem>> -> memref<1x1600x32xf32, #tpu.memory_space<vmem>>
      %dma_start3A_532 = tpu.memref_squeeze %dma_start3A_531 : memref<1x1600x32xf32, #tpu.memory_space<vmem>> -> memref<1600x32xf32, #tpu.memory_space<vmem>>
      %dma_start3A_533 = arith.constant 1000 : i32
      %dma_start3A_534 = arith.constant 0 : i32
      %dma_start3A_535 = tpu.memref_slice %dma_start3A_532[%dma_start3A_533, %dma_start3A_534] : memref<1600x32xf32, #tpu.memory_space<vmem>> -> memref<128x32xf32, #tpu.memory_space<vmem>>
      %dma_start3A_536 = arith.constant 0 : i32
      %dma_start3A_537 = tpu.memref_slice %arg5[%dma_start3A_526, %dma_start3A_527, %dma_start3A_536] : memref<2x8x200xi32, #tpu.memory_space<vmem>> -> memref<1x1x128xi32, #tpu.memory_space<vmem>>
      %dma_start3A_538 = tpu.memref_squeeze %dma_start3A_537 : memref<1x1x128xi32, #tpu.memory_space<vmem>> -> memref<128xi32, #tpu.memory_space<vmem>>
      %dma_start3A_539 = arith.constant 0 : i32
      %dma_start3A_540 = arith.constant 0 : i32
      %dma_start3A_541 = tpu.memref_slice %arg3[%dma_start3A_539, %dma_start3A_540] : memref<4000000x32xf32, #tpu.memory_space<hbm>> -> memref<4000000x32xf32, #tpu.memory_space<hbm>>
      tpu.enqueue_indirect_dma source(%dma_start3A_541 : memref<4000000x32xf32, #tpu.memory_space<hbm>>) target(%dma_start3A_535 : memref<128x32xf32, #tpu.memory_space<vmem>>) offsets(%dma_start3A_538 : memref<128xi32, #tpu.memory_space<vmem>>) semaphore(%arg8 : memref<!tpu.dma_semaphore, #tpu.memory_space<semaphore_mem>>)
      %dma_start3A_542 = arith.constant 1 : i32
      %dma_start3A_543 = arith.constant 5 : i32
      %dma_start3A_544 = arith.constant 1 : i32
      %dma_start3A_545 = arith.constant 0 : i32
      %dma_start3A_546 = arith.constant 0 : i32
      %dma_start3A_547 = tpu.memref_slice %arg6[%dma_start3A_544, %dma_start3A_545, %dma_start3A_546] : memref<2x1600x32xf32, #tpu.memory_space<vmem>> -> memref<1x1600x32xf32, #tpu.memory_space<vmem>>
      %dma_start3A_548 = tpu.memref_squeeze %dma_start3A_547 : memref<1x1600x32xf32, #tpu.memory_space<vmem>> -> memref<1600x32xf32, #tpu.memory_space<vmem>>
      %dma_start3A_549 = arith.constant 1128 : i32
      %dma_start3A_550 = arith.constant 0 : i32
      %dma_start3A_551 = tpu.memref_slice %dma_start3A_548[%dma_start3A_549, %dma_start3A_550] : memref<1600x32xf32, #tpu.memory_space<vmem>> -> memref<72x32xf32, #tpu.memory_space<vmem>>
      %dma_start3A_552 = arith.constant 128 : i32
      %dma_start3A_553 = tpu.memref_slice %arg5[%dma_start3A_542, %dma_start3A_543, %dma_start3A_552] : memref<2x8x200xi32, #tpu.memory_space<vmem>> -> memref<1x1x72xi32, #tpu.memory_space<vmem>>
      %dma_start3A_554 = tpu.memref_squeeze %dma_start3A_553 : memref<1x1x72xi32, #tpu.memory_space<vmem>> -> memref<72xi32, #tpu.memory_space<vmem>>
      %dma_start3A_555 = arith.constant 0 : i32
      %dma_start3A_556 = arith.constant 0 : i32
      %dma_start3A_557 = tpu.memref_slice %arg3[%dma_start3A_555, %dma_start3A_556] : memref<4000000x32xf32, #tpu.memory_space<hbm>> -> memref<4000000x32xf32, #tpu.memory_space<hbm>>
      tpu.enqueue_indirect_dma source(%dma_start3A_557 : memref<4000000x32xf32, #tpu.memory_space<hbm>>) target(%dma_start3A_551 : memref<72x32xf32, #tpu.memory_space<vmem>>) offsets(%dma_start3A_554 : memref<72xi32, #tpu.memory_space<vmem>>) semaphore(%arg8 : memref<!tpu.dma_semaphore, #tpu.memory_space<semaphore_mem>>)
      %dma_start3A_558 = arith.constant 1 : i32
      %dma_start3A_559 = arith.constant 6 : i32
      %dma_start3A_560 = arith.constant 1 : i32
      %dma_start3A_561 = arith.constant 0 : i32
      %dma_start3A_562 = arith.constant 0 : i32
      %dma_start3A_563 = tpu.memref_slice %arg6[%dma_start3A_560, %dma_start3A_561, %dma_start3A_562] : memref<2x1600x32xf32, #tpu.memory_space<vmem>> -> memref<1x1600x32xf32, #tpu.memory_space<vmem>>
      %dma_start3A_564 = tpu.memref_squeeze %dma_start3A_563 : memref<1x1600x32xf32, #tpu.memory_space<vmem>> -> memref<1600x32xf32, #tpu.memory_space<vmem>>
      %dma_start3A_565 = arith.constant 1200 : i32
      %dma_start3A_566 = arith.constant 0 : i32
      %dma_start3A_567 = tpu.memref_slice %dma_start3A_564[%dma_start3A_565, %dma_start3A_566] : memref<1600x32xf32, #tpu.memory_space<vmem>> -> memref<128x32xf32, #tpu.memory_space<vmem>>
      %dma_start3A_568 = arith.constant 0 : i32
      %dma_start3A_569 = tpu.memref_slice %arg5[%dma_start3A_558, %dma_start3A_559, %dma_start3A_568] : memref<2x8x200xi32, #tpu.memory_space<vmem>> -> memref<1x1x128xi32, #tpu.memory_space<vmem>>
      %dma_start3A_570 = tpu.memref_squeeze %dma_start3A_569 : memref<1x1x128xi32, #tpu.memory_space<vmem>> -> memref<128xi32, #tpu.memory_space<vmem>>
      %dma_start3A_571 = arith.constant 0 : i32
      %dma_start3A_572 = arith.constant 0 : i32
      %dma_start3A_573 = tpu.memref_slice %arg3[%dma_start3A_571, %dma_start3A_572] : memref<4000000x32xf32, #tpu.memory_space<hbm>> -> memref<4000000x32xf32, #tpu.memory_space<hbm>>
      tpu.enqueue_indirect_dma source(%dma_start3A_573 : memref<4000000x32xf32, #tpu.memory_space<hbm>>) target(%dma_start3A_567 : memref<128x32xf32, #tpu.memory_space<vmem>>) offsets(%dma_start3A_570 : memref<128xi32, #tpu.memory_space<vmem>>) semaphore(%arg8 : memref<!tpu.dma_semaphore, #tpu.memory_space<semaphore_mem>>)
      %dma_start3A_574 = arith.constant 1 : i32
      %dma_start3A_575 = arith.constant 6 : i32
      %dma_start3A_576 = arith.constant 1 : i32
      %dma_start3A_577 = arith.constant 0 : i32
      %dma_start3A_578 = arith.constant 0 : i32
      %dma_start3A_579 = tpu.memref_slice %arg6[%dma_start3A_576, %dma_start3A_577, %dma_start3A_578] : memref<2x1600x32xf32, #tpu.memory_space<vmem>> -> memref<1x1600x32xf32, #tpu.memory_space<vmem>>
      %dma_start3A_580 = tpu.memref_squeeze %dma_start3A_579 : memref<1x1600x32xf32, #tpu.memory_space<vmem>> -> memref<1600x32xf32, #tpu.memory_space<vmem>>
      %dma_start3A_581 = arith.constant 1328 : i32
      %dma_start3A_582 = arith.constant 0 : i32
      %dma_start3A_583 = tpu.memref_slice %dma_start3A_580[%dma_start3A_581, %dma_start3A_582] : memref<1600x32xf32, #tpu.memory_space<vmem>> -> memref<72x32xf32, #tpu.memory_space<vmem>>
      %dma_start3A_584 = arith.constant 128 : i32
      %dma_start3A_585 = tpu.memref_slice %arg5[%dma_start3A_574, %dma_start3A_575, %dma_start3A_584] : memref<2x8x200xi32, #tpu.memory_space<vmem>> -> memref<1x1x72xi32, #tpu.memory_space<vmem>>
      %dma_start3A_586 = tpu.memref_squeeze %dma_start3A_585 : memref<1x1x72xi32, #tpu.memory_space<vmem>> -> memref<72xi32, #tpu.memory_space<vmem>>
      %dma_start3A_587 = arith.constant 0 : i32
      %dma_start3A_588 = arith.constant 0 : i32
      %dma_start3A_589 = tpu.memref_slice %arg3[%dma_start3A_587, %dma_start3A_588] : memref<4000000x32xf32, #tpu.memory_space<hbm>> -> memref<4000000x32xf32, #tpu.memory_space<hbm>>
      tpu.enqueue_indirect_dma source(%dma_start3A_589 : memref<4000000x32xf32, #tpu.memory_space<hbm>>) target(%dma_start3A_583 : memref<72x32xf32, #tpu.memory_space<vmem>>) offsets(%dma_start3A_586 : memref<72xi32, #tpu.memory_space<vmem>>) semaphore(%arg8 : memref<!tpu.dma_semaphore, #tpu.memory_space<semaphore_mem>>)
      %dma_start3A_590 = arith.constant 1 : i32
      %dma_start3A_591 = arith.constant 7 : i32
      %dma_start3A_592 = arith.constant 1 : i32
      %dma_start3A_593 = arith.constant 0 : i32
      %dma_start3A_594 = arith.constant 0 : i32
      %dma_start3A_595 = tpu.memref_slice %arg6[%dma_start3A_592, %dma_start3A_593, %dma_start3A_594] : memref<2x1600x32xf32, #tpu.memory_space<vmem>> -> memref<1x1600x32xf32, #tpu.memory_space<vmem>>
      %dma_start3A_596 = tpu.memref_squeeze %dma_start3A_595 : memref<1x1600x32xf32, #tpu.memory_space<vmem>> -> memref<1600x32xf32, #tpu.memory_space<vmem>>
      %dma_start3A_597 = arith.constant 1400 : i32
      %dma_start3A_598 = arith.constant 0 : i32
      %dma_start3A_599 = tpu.memref_slice %dma_start3A_596[%dma_start3A_597, %dma_start3A_598] : memref<1600x32xf32, #tpu.memory_space<vmem>> -> memref<128x32xf32, #tpu.memory_space<vmem>>
      %dma_start3A_600 = arith.constant 0 : i32
      %dma_start3A_601 = tpu.memref_slice %arg5[%dma_start3A_590, %dma_start3A_591, %dma_start3A_600] : memref<2x8x200xi32, #tpu.memory_space<vmem>> -> memref<1x1x128xi32, #tpu.memory_space<vmem>>
      %dma_start3A_602 = tpu.memref_squeeze %dma_start3A_601 : memref<1x1x128xi32, #tpu.memory_space<vmem>> -> memref<128xi32, #tpu.memory_space<vmem>>
      %dma_start3A_603 = arith.constant 0 : i32
      %dma_start3A_604 = arith.constant 0 : i32
      %dma_start3A_605 = tpu.memref_slice %arg3[%dma_start3A_603, %dma_start3A_604] : memref<4000000x32xf32, #tpu.memory_space<hbm>> -> memref<4000000x32xf32, #tpu.memory_space<hbm>>
      tpu.enqueue_indirect_dma source(%dma_start3A_605 : memref<4000000x32xf32, #tpu.memory_space<hbm>>) target(%dma_start3A_599 : memref<128x32xf32, #tpu.memory_space<vmem>>) offsets(%dma_start3A_602 : memref<128xi32, #tpu.memory_space<vmem>>) semaphore(%arg8 : memref<!tpu.dma_semaphore, #tpu.memory_space<semaphore_mem>>)
      %dma_start3A_606 = arith.constant 1 : i32
      %dma_start3A_607 = arith.constant 7 : i32
      %dma_start3A_608 = arith.constant 1 : i32
      %dma_start3A_609 = arith.constant 0 : i32
      %dma_start3A_610 = arith.constant 0 : i32
      %dma_start3A_611 = tpu.memref_slice %arg6[%dma_start3A_608, %dma_start3A_609, %dma_start3A_610] : memref<2x1600x32xf32, #tpu.memory_space<vmem>> -> memref<1x1600x32xf32, #tpu.memory_space<vmem>>
      %dma_start3A_612 = tpu.memref_squeeze %dma_start3A_611 : memref<1x1600x32xf32, #tpu.memory_space<vmem>> -> memref<1600x32xf32, #tpu.memory_space<vmem>>
      %dma_start3A_613 = arith.constant 1528 : i32
      %dma_start3A_614 = arith.constant 0 : i32
      %dma_start3A_615 = tpu.memref_slice %dma_start3A_612[%dma_start3A_613, %dma_start3A_614] : memref<1600x32xf32, #tpu.memory_space<vmem>> -> memref<72x32xf32, #tpu.memory_space<vmem>>
      %dma_start3A_616 = arith.constant 128 : i32
      %dma_start3A_617 = tpu.memref_slice %arg5[%dma_start3A_606, %dma_start3A_607, %dma_start3A_616] : memref<2x8x200xi32, #tpu.memory_space<vmem>> -> memref<1x1x72xi32, #tpu.memory_space<vmem>>
      %dma_start3A_618 = tpu.memref_squeeze %dma_start3A_617 : memref<1x1x72xi32, #tpu.memory_space<vmem>> -> memref<72xi32, #tpu.memory_space<vmem>>
      %dma_start3A_619 = arith.constant 0 : i32
      %dma_start3A_620 = arith.constant 0 : i32
      %dma_start3A_621 = tpu.memref_slice %arg3[%dma_start3A_619, %dma_start3A_620] : memref<4000000x32xf32, #tpu.memory_space<hbm>> -> memref<4000000x32xf32, #tpu.memory_space<hbm>>
      tpu.enqueue_indirect_dma source(%dma_start3A_621 : memref<4000000x32xf32, #tpu.memory_space<hbm>>) target(%dma_start3A_615 : memref<72x32xf32, #tpu.memory_space<vmem>>) offsets(%dma_start3A_618 : memref<72xi32, #tpu.memory_space<vmem>>) semaphore(%arg8 : memref<!tpu.dma_semaphore, #tpu.memory_space<semaphore_mem>>)
      %ge3A_622 = arith.constant 1 : i32
      %ge3A_623 = arith.cmpi sge, %add3A_352, %ge3A_622 : i32
      %convert_element_type3A_624 = arith.extui %ge3A_623 : i1 to i32
      %cond3A_625 = arith.constant 0 : i32
      %cond3A_626 = arith.cmpi ne, %convert_element_type3A_624, %cond3A_625 : i32
      scf.if %cond3A_626 {
        %dma_wait3A_634 = arith.constant 0 : i32
        %dma_wait3A_635 = arith.constant 0 : i32
        %dma_wait3A_636 = arith.constant 0 : i32
        %dma_wait3A_637 = tpu.memref_slice %arg6[%dma_wait3A_634, %dma_wait3A_635, %dma_wait3A_636] : memref<2x1600x32xf32, #tpu.memory_space<vmem>> -> memref<1x1600x32xf32, #tpu.memory_space<vmem>>
        %dma_wait3A_638 = tpu.memref_squeeze %dma_wait3A_637 : memref<1x1600x32xf32, #tpu.memory_space<vmem>> -> memref<1600x32xf32, #tpu.memory_space<vmem>>
        %dma_wait3A_639 = arith.constant 0 : i32
        %dma_wait3A_640 = arith.constant 0 : i32
        %dma_wait3A_641 = tpu.memref_slice %arg4[%dma_wait3A_639, %dma_wait3A_640] : memref<3276800x32xf32, #tpu.memory_space<hbm>> -> memref<1600x32xf32, #tpu.memory_space<hbm>>
        %dma_wait3A_642 = arith.constant 0 : i32
        %dma_wait3A_643 = arith.constant 0 : i32
        %dma_wait3A_644 = tpu.memref_slice %arg6[%dma_wait3A_634, %dma_wait3A_642, %dma_wait3A_643] : memref<2x1600x32xf32, #tpu.memory_space<vmem>> -> memref<1x1600x32xf32, #tpu.memory_space<vmem>>
        %dma_wait3A_645 = tpu.memref_squeeze %dma_wait3A_644 : memref<1x1600x32xf32, #tpu.memory_space<vmem>> -> memref<1600x32xf32, #tpu.memory_space<vmem>>
        %dma_wait3A_646 = arith.constant 0 : i32
        %dma_wait3A_647 = arith.constant 0 : i32
        %dma_wait3A_648 = tpu.memref_slice %arg4[%dma_wait3A_646, %dma_wait3A_647] : memref<3276800x32xf32, #tpu.memory_space<hbm>> -> memref<1600x32xf32, #tpu.memory_space<hbm>>
        tpu.wait_dma2 semaphore(%arg7 : memref<!tpu.dma_semaphore, #tpu.memory_space<semaphore_mem>>) src(%dma_wait3A_648 : memref<1600x32xf32, #tpu.memory_space<hbm>>) dst(%dma_wait3A_645 : memref<1600x32xf32, #tpu.memory_space<vmem>>)
        %sub3A = arith.constant 8 : i32
        %sub3A_649 = arith.subi %add3A_355, %sub3A : i32
        %mul3A_650 = arith.constant 200 : i32
        %mul3A_651 = arith.muli %sub3A_649, %mul3A_650 : i32
        %dma_start3A_652 = arith.constant 0 : i32
        %dma_start3A_653 = arith.constant 0 : i32
        %dma_start3A_654 = arith.constant 0 : i32
        %dma_start3A_655 = tpu.memref_slice %arg6[%dma_start3A_652, %dma_start3A_653, %dma_start3A_654] : memref<2x1600x32xf32, #tpu.memory_space<vmem>> -> memref<1x1600x32xf32, #tpu.memory_space<vmem>>
        %dma_start3A_656 = tpu.memref_squeeze %dma_start3A_655 : memref<1x1600x32xf32, #tpu.memory_space<vmem>> -> memref<1600x32xf32, #tpu.memory_space<vmem>>
        %dma_start3A_657 = arith.constant 0 : i32
        %dma_start3A_658 = tpu.memref_slice %arg4[%mul3A_651, %dma_start3A_657] : memref<3276800x32xf32, #tpu.memory_space<hbm>> -> memref<1600x32xf32, #tpu.memory_space<hbm>>
        %dma_start3A_659 = arith.constant 0 : i32
        %dma_start3A_660 = tpu.memref_slice %arg4[%mul3A_651, %dma_start3A_659] : memref<3276800x32xf32, #tpu.memory_space<hbm>> -> memref<1600x32xf32, #tpu.memory_space<hbm>>
        %dma_start3A_661 = arith.constant 0 : i32
        %dma_start3A_662 = arith.constant 0 : i32
        %dma_start3A_663 = tpu.memref_slice %arg6[%dma_start3A_652, %dma_start3A_661, %dma_start3A_662] : memref<2x1600x32xf32, #tpu.memory_space<vmem>> -> memref<1x1600x32xf32, #tpu.memory_space<vmem>>
        %dma_start3A_664 = tpu.memref_squeeze %dma_start3A_663 : memref<1x1600x32xf32, #tpu.memory_space<vmem>> -> memref<1600x32xf32, #tpu.memory_space<vmem>>
        tpu.enqueue_dma source(%dma_start3A_664 : memref<1600x32xf32, #tpu.memory_space<vmem>>) target(%dma_start3A_660 : memref<1600x32xf32, #tpu.memory_space<hbm>>) target_semaphore(%arg10 : memref<!tpu.dma_semaphore, #tpu.memory_space<semaphore_mem>>)
      } else {
      }
      %add3A_627 = arith.constant 1 : i32
      %add3A_628 = arith.addi %add3A_352, %add3A_627 : i32
      %lt3A_629 = arith.constant 64 : i32
      %lt3A_630 = arith.cmpi slt, %add3A_628, %lt3A_629 : i32
      %convert_element_type3A_631 = arith.extui %lt3A_630 : i1 to i32
      %cond3A_632 = arith.constant 0 : i32
      %cond3A_633 = arith.cmpi ne, %convert_element_type3A_631, %cond3A_632 : i32
      scf.if %cond3A_633 {
        %add3A_634 = arith.constant 8 : i32
        %add3A_635 = arith.addi %add3A_355, %add3A_634 : i32
        %dma_start3A_636 = arith.constant 0 : i32
        %dma_start3A_637 = arith.constant 0 : i32
        %dma_start3A_638 = arith.constant 0 : i32
        %dma_start3A_639 = tpu.memref_slice %arg5[%dma_start3A_636, %dma_start3A_637, %dma_start3A_638] : memref<2x8x200xi32, #tpu.memory_space<vmem>> -> memref<1x8x200xi32, #tpu.memory_space<vmem>>
        %dma_start3A_640 = tpu.memref_squeeze %dma_start3A_639 : memref<1x8x200xi32, #tpu.memory_space<vmem>> -> memref<8x200xi32, #tpu.memory_space<vmem>>
        %dma_start3A_641 = arith.constant 0 : i32
        %dma_start3A_642 = tpu.memref_slice %arg2[%add3A_635, %dma_start3A_641] : memref<16384x200xi32, #tpu.memory_space<hbm>> -> memref<8x200xi32, #tpu.memory_space<hbm>>
        %dma_start3A_643 = arith.constant 0 : i32
        %dma_start3A_644 = arith.constant 0 : i32
        %dma_start3A_645 = tpu.memref_slice %arg5[%dma_start3A_636, %dma_start3A_643, %dma_start3A_644] : memref<2x8x200xi32, #tpu.memory_space<vmem>> -> memref<1x8x200xi32, #tpu.memory_space<vmem>>
        %dma_start3A_646 = tpu.memref_squeeze %dma_start3A_645 : memref<1x8x200xi32, #tpu.memory_space<vmem>> -> memref<8x200xi32, #tpu.memory_space<vmem>>
        %dma_start3A_647 = arith.constant 0 : i32
        %dma_start3A_648 = tpu.memref_slice %arg2[%add3A_635, %dma_start3A_647] : memref<16384x200xi32, #tpu.memory_space<hbm>> -> memref<8x200xi32, #tpu.memory_space<hbm>>
        tpu.enqueue_dma source(%dma_start3A_648 : memref<8x200xi32, #tpu.memory_space<hbm>>) target(%dma_start3A_646 : memref<8x200xi32, #tpu.memory_space<vmem>>) target_semaphore(%arg9 : memref<!tpu.dma_semaphore, #tpu.memory_space<semaphore_mem>>)
      } else {
      }
    }
    %scan3A_6 = arith.constant 32 : i32
    %dma_wait3A = arith.constant 1 : i32
    %dma_wait3A_7 = arith.constant 0 : i32
    %dma_wait3A_8 = arith.constant 0 : i32
    %dma_wait3A_9 = tpu.memref_slice %arg6[%dma_wait3A, %dma_wait3A_7, %dma_wait3A_8] : memref<2x1600x32xf32, #tpu.memory_space<vmem>> -> memref<1x1600x32xf32, #tpu.memory_space<vmem>>
    %dma_wait3A_10 = tpu.memref_squeeze %dma_wait3A_9 : memref<1x1600x32xf32, #tpu.memory_space<vmem>> -> memref<1600x32xf32, #tpu.memory_space<vmem>>
    %dma_wait3A_11 = arith.constant 0 : i32
    %dma_wait3A_12 = arith.constant 0 : i32
    %dma_wait3A_13 = tpu.memref_slice %arg4[%dma_wait3A_11, %dma_wait3A_12] : memref<3276800x32xf32, #tpu.memory_space<hbm>> -> memref<1600x32xf32, #tpu.memory_space<hbm>>
    %dma_wait3A_14 = arith.constant 0 : i32
    %dma_wait3A_15 = arith.constant 0 : i32
    %dma_wait3A_16 = tpu.memref_slice %arg6[%dma_wait3A, %dma_wait3A_14, %dma_wait3A_15] : memref<2x1600x32xf32, #tpu.memory_space<vmem>> -> memref<1x1600x32xf32, #tpu.memory_space<vmem>>
    %dma_wait3A_17 = tpu.memref_squeeze %dma_wait3A_16 : memref<1x1600x32xf32, #tpu.memory_space<vmem>> -> memref<1600x32xf32, #tpu.memory_space<vmem>>
    %dma_wait3A_18 = arith.constant 0 : i32
    %dma_wait3A_19 = arith.constant 0 : i32
    %dma_wait3A_20 = tpu.memref_slice %arg4[%dma_wait3A_18, %dma_wait3A_19] : memref<3276800x32xf32, #tpu.memory_space<hbm>> -> memref<1600x32xf32, #tpu.memory_space<hbm>>
    tpu.wait_dma2 semaphore(%arg8 : memref<!tpu.dma_semaphore, #tpu.memory_space<semaphore_mem>>) src(%dma_wait3A_20 : memref<1600x32xf32, #tpu.memory_space<hbm>>) dst(%dma_wait3A_17 : memref<1600x32xf32, #tpu.memory_space<vmem>>)
    %add3A_21 = arith.constant 504 : i32
    %add3A_22 = arith.addi %mul3A_2, %add3A_21 : i32
    %mul3A_23 = arith.constant 200 : i32
    %mul3A_24 = arith.muli %add3A_22, %mul3A_23 : i32
    %dma_start3A = arith.constant 1 : i32
    %dma_start3A_25 = arith.constant 0 : i32
    %dma_start3A_26 = arith.constant 0 : i32
    %dma_start3A_27 = tpu.memref_slice %arg6[%dma_start3A, %dma_start3A_25, %dma_start3A_26] : memref<2x1600x32xf32, #tpu.memory_space<vmem>> -> memref<1x1600x32xf32, #tpu.memory_space<vmem>>
    %dma_start3A_28 = tpu.memref_squeeze %dma_start3A_27 : memref<1x1600x32xf32, #tpu.memory_space<vmem>> -> memref<1600x32xf32, #tpu.memory_space<vmem>>
    %dma_start3A_29 = arith.constant 0 : i32
    %dma_start3A_30 = tpu.memref_slice %arg4[%mul3A_24, %dma_start3A_29] : memref<3276800x32xf32, #tpu.memory_space<hbm>> -> memref<1600x32xf32, #tpu.memory_space<hbm>>
    %dma_start3A_31 = arith.constant 0 : i32
    %dma_start3A_32 = tpu.memref_slice %arg4[%mul3A_24, %dma_start3A_31] : memref<3276800x32xf32, #tpu.memory_space<hbm>> -> memref<1600x32xf32, #tpu.memory_space<hbm>>
    %dma_start3A_33 = arith.constant 0 : i32
    %dma_start3A_34 = arith.constant 0 : i32
    %dma_start3A_35 = tpu.memref_slice %arg6[%dma_start3A, %dma_start3A_33, %dma_start3A_34] : memref<2x1600x32xf32, #tpu.memory_space<vmem>> -> memref<1x1600x32xf32, #tpu.memory_space<vmem>>
    %dma_start3A_36 = tpu.memref_squeeze %dma_start3A_35 : memref<1x1600x32xf32, #tpu.memory_space<vmem>> -> memref<1600x32xf32, #tpu.memory_space<vmem>>
    tpu.enqueue_dma source(%dma_start3A_36 : memref<1600x32xf32, #tpu.memory_space<vmem>>) target(%dma_start3A_32 : memref<1600x32xf32, #tpu.memory_space<hbm>>) target_semaphore(%arg11 : memref<!tpu.dma_semaphore, #tpu.memory_space<semaphore_mem>>)
    %dma_wait3A_37 = arith.constant 0 : i32
    %dma_wait3A_38 = arith.constant 0 : i32
    %dma_wait3A_39 = arith.constant 0 : i32
    %dma_wait3A_40 = tpu.memref_slice %arg6[%dma_wait3A_37, %dma_wait3A_38, %dma_wait3A_39] : memref<2x1600x32xf32, #tpu.memory_space<vmem>> -> memref<1x1600x32xf32, #tpu.memory_space<vmem>>
    %dma_wait3A_41 = tpu.memref_squeeze %dma_wait3A_40 : memref<1x1600x32xf32, #tpu.memory_space<vmem>> -> memref<1600x32xf32, #tpu.memory_space<vmem>>
    %dma_wait3A_42 = arith.constant 0 : i32
    %dma_wait3A_43 = arith.constant 0 : i32
    %dma_wait3A_44 = tpu.memref_slice %arg4[%dma_wait3A_42, %dma_wait3A_43] : memref<3276800x32xf32, #tpu.memory_space<hbm>> -> memref<1600x32xf32, #tpu.memory_space<hbm>>
    %dma_wait3A_45 = arith.constant 0 : i32
    %dma_wait3A_46 = arith.constant 0 : i32
    %dma_wait3A_47 = tpu.memref_slice %arg4[%dma_wait3A_45, %dma_wait3A_46] : memref<3276800x32xf32, #tpu.memory_space<hbm>> -> memref<1600x32xf32, #tpu.memory_space<hbm>>
    %dma_wait3A_48 = arith.constant 0 : i32
    %dma_wait3A_49 = arith.constant 0 : i32
    %dma_wait3A_50 = tpu.memref_slice %arg6[%dma_wait3A_37, %dma_wait3A_48, %dma_wait3A_49] : memref<2x1600x32xf32, #tpu.memory_space<vmem>> -> memref<1x1600x32xf32, #tpu.memory_space<vmem>>
    %dma_wait3A_51 = tpu.memref_squeeze %dma_wait3A_50 : memref<1x1600x32xf32, #tpu.memory_space<vmem>> -> memref<1600x32xf32, #tpu.memory_space<vmem>>
    tpu.wait_dma2 semaphore(%arg10 : memref<!tpu.dma_semaphore, #tpu.memory_space<semaphore_mem>>) src(%dma_wait3A_51 : memref<1600x32xf32, #tpu.memory_space<vmem>>) dst(%dma_wait3A_47 : memref<1600x32xf32, #tpu.memory_space<hbm>>)
    %dma_wait3A_52 = arith.constant 1 : i32
    %dma_wait3A_53 = arith.constant 0 : i32
    %dma_wait3A_54 = arith.constant 0 : i32
    %dma_wait3A_55 = tpu.memref_slice %arg6[%dma_wait3A_52, %dma_wait3A_53, %dma_wait3A_54] : memref<2x1600x32xf32, #tpu.memory_space<vmem>> -> memref<1x1600x32xf32, #tpu.memory_space<vmem>>
    %dma_wait3A_56 = tpu.memref_squeeze %dma_wait3A_55 : memref<1x1600x32xf32, #tpu.memory_space<vmem>> -> memref<1600x32xf32, #tpu.memory_space<vmem>>
    %dma_wait3A_57 = arith.constant 0 : i32
    %dma_wait3A_58 = arith.constant 0 : i32
    %dma_wait3A_59 = tpu.memref_slice %arg4[%dma_wait3A_57, %dma_wait3A_58] : memref<3276800x32xf32, #tpu.memory_space<hbm>> -> memref<1600x32xf32, #tpu.memory_space<hbm>>
    %dma_wait3A_60 = arith.constant 0 : i32
    %dma_wait3A_61 = arith.constant 0 : i32
    %dma_wait3A_62 = tpu.memref_slice %arg4[%dma_wait3A_60, %dma_wait3A_61] : memref<3276800x32xf32, #tpu.memory_space<hbm>> -> memref<1600x32xf32, #tpu.memory_space<hbm>>
    %dma_wait3A_63 = arith.constant 0 : i32
    %dma_wait3A_64 = arith.constant 0 : i32
    %dma_wait3A_65 = tpu.memref_slice %arg6[%dma_wait3A_52, %dma_wait3A_63, %dma_wait3A_64] : memref<2x1600x32xf32, #tpu.memory_space<vmem>> -> memref<1x1600x32xf32, #tpu.memory_space<vmem>>
    %dma_wait3A_66 = tpu.memref_squeeze %dma_wait3A_65 : memref<1x1600x32xf32, #tpu.memory_space<vmem>> -> memref<1600x32xf32, #tpu.memory_space<vmem>>
    tpu.wait_dma2 semaphore(%arg11 : memref<!tpu.dma_semaphore, #tpu.memory_space<semaphore_mem>>) src(%dma_wait3A_66 : memref<1600x32xf32, #tpu.memory_space<vmem>>) dst(%dma_wait3A_62 : memref<1600x32xf32, #tpu.memory_space<hbm>>)
    return
  }
}

</mosaic_0001>

<sc_bundles>
// kernel: kernel.3.cloned.1.call-start
scs
__scs_entry_jumppad:
0x0: {  	(pc) =	sbr.rel $0x88, $3  }
0x1: {  	(tag) =	ssettag $0x0;
	lr =	simm.s32 $0x1  }
0x2: {  	[smem:$0x3F9F] =	sst lr;
	_ =	strace $0xD0000000  }
0x3: {  	_ = 	snop  }
0x4: {  	_ = 	snop  }
0x5: {  	_ = 	snop  }
0x6: {  	_ = 	snop  }
0x7: {  	_ = 	snop  }
__scs_overlays_trampoline_lowered:
0x8: {  	[smem:$0x3FAE] =	sst s0  }
0x9: {  	[smem:$0x3FAF] =	sst s1  }
0xa: {  	[smem:$0x3FB0] =	sst s2  }
0xb: {  	[smem:$0x3FB1] =	sst s3  }
0xc: {  	[smem:$0x3FB2] =	sst s4  }
0xd: {  	[smem:$0x3FB3] =	sst s5  }
0xe: {  	[smem:$0x3FB4] =	sst s6  }
0xf: {  	[smem:$0x3FB5] =	sst s7  }
0x10: {  	[smem:$0x3FB6] =	sst s8  }
0x11: {  	[smem:$0x3FB7] =	sst s9;
	s0 =	simm.s32 @!p0 $0x0  }
0x12: {  	s1 =	sld [smem:$0x3F9D];
	s0 =	simm.s32 @p0 $0x1  }
0x13: {  	[smem:$0x3FB8] =	sst s0;
	s0 =	simm.s32 @!p1 $0x0  }
0x14: {  	s2 =	sld [smem:$0x3F9C];
	s0 =	simm.s32 @p1 $0x1  }
0x15: {  	[smem:$0x3FB9] =	sst s0;
	s0 =	simm.s32 @!p2 $0x0  }
0x16: {  	s3 =	sld [smem:$0x3FDB];
	s0 =	simm.s32 @p2 $0x1  }
0x17: {  	s4 =	simm.s32 $0x1BF5;
	[smem:$0x3FBB] =	sst s0  }
0x18: {  	s0 =	sld [smem:$0x3F9E];
	_ =	swait.ge [sflag:s4], $0x0  }
0x19: {  	s7 =	sld [smem:$0x3F9F]  }
0x1a: {  	s8 =	sadd.s32 $0xFFFFE003, lr  }
0x1b: {  	s9 =	sadd.s32 $0xFFFFFEF7, lr;
	s5 =	simm.s32 $0xFFFFFFFF;
	p2 =	slt.u32 s8, $0xFFFFF086  }
0x1c: {  	p1 =	slt.u32 s9, $0xF7A;
	s5 =	simm.s32 @!p2 $0x0  }
0x1d: {  	s5 =	simm.s32 @p1 $0x1;
	p0 =	seq.s32 s7, s2  }
0x1e: {  	s7 =	smul.u32 @!p0 $0xF7A, s2;
	p2 =	seq.s32 @!p0 s5, $0x0  }
0x1f: {  	s9 =	smul.u32 $0xF7A, s1;
	s8 =	simm.s32 @!p0 $0x1BF5;
	p2 =	por !p2, p0  }
0x20: {  	[sflag:s8] =	ssyncset.s32 @!p0 $0xFFFFF086;
	s6 =	sadd.s32 @!p0 s3, s7;
	s7 =	simm.s32 @!p0 $0x108  }
0x21: {  	s3 =	sadd.s32 s3, s9;
	s6 =	sadd.s32 @!p0 $0x88, s6;
	s7 =	simm.s32 @p2 $0x1082  }
0x22: {  	[simem:s7], [sflag:s8] =	dma.local @!p0 [hbm:s6], $0xF7A  }
0x23: {  	s9 =	sor.u32 $0xD0000000, s2;
	s6 =	simm.s32 $0x108;
	_ =	swait.ge @!p0 [sflag:s8], $0x0  }
0x24: {  	s3 =	sadd.s32 $0x88, s3;
	s6 =	simm.s32 @!p1 $0x1082;
	[sflag:s4] =	ssyncset.s32 $0xFFFFF086  }
0x25: {  	[simem:s6], [sflag:s4] =	dma.local [hbm:s3], $0xF7A  }
0x26: {  	[smem:$0x3F9F] =	sst s1;
	(tag) =	ssettag s2;
	_ =	strace s9  }
0x27: {  	s1 =	sld [smem:$0x3FAF]  }
0x28: {  	s2 =	sld [smem:$0x3FB0]  }
0x29: {  	s4 =	sld [smem:$0x3FB2]  }
0x2a: {  	p0 =	seq.s32 s5, $0x0;
	s5 =	sld [smem:$0x3FB3]  }
0x2b: {  	s6 =	sld [smem:$0x3FB4]  }
0x2c: {  	s7 =	sld [smem:$0x3FB5]  }
0x2d: {  	s3 =	simm.s32 $0x108;
	s8 =	sld [smem:$0x3FB6]  }
0x2e: {  	s3 =	simm.s32 @!p0 $0x1082;
	s9 =	sld [smem:$0x3FB7]  }
0x2f: {  	lr =	sadd.s32 s0, s3;
	s0 =	sld [smem:$0x3FAE]  }
0x30: {  	s3 =	sld [smem:$0x3FB1]  }
0x31: {  	[smem:$0x3FBA] =	sst s10  }
0x32: {  	s10 =	sld [smem:$0x3FB8];
	_ =	sdelay $0x3  }
0x33: {  	p0 =	seq.s32 s10, $0x1;
	s10 =	sld [smem:$0x3FBA];
	_ =	sdelay $0x3  }
0x34: {  	[smem:$0x3FBA] =	sst s10  }
0x35: {  	s10 =	sld [smem:$0x3FB9];
	_ =	sdelay $0x3  }
0x36: {  	p1 =	seq.s32 s10, $0x1;
	s10 =	sld [smem:$0x3FBA];
	_ =	sdelay $0x3  }
0x37: {  	[smem:$0x3FBA] =	sst s10  }
0x38: {  	s10 =	sld [smem:$0x3FBB]  }
0x39: {  	_ = 	snop;
	(pc) =	sbr.ind lr, $3  }
0x3a: {  	_ = 	snop  }
0x3b: {  	_ = 	snop  }
0x3c: {  	p2 =	seq.s32 s10, $0x1;
	s10 =	sld [smem:$0x3FBA]  }
0x3d: {  	_ =	shalt  }
0x3e: {  	_ =	shalt  }
0x3f: {  	_ =	shalt  }
0x40: {  	_ =	shalt  }
0x41: {  	_ =	shalt  }
0x42: {  	_ =	shalt  }
0x43: {  	_ =	shalt  }
0x44: {  	_ =	shalt  }
0x45: {  	_ =	shalt  }
0x46: {  	_ =	shalt  }
0x47: {  	_ =	shalt  }
0x48: {  	_ =	shalt  }
0x49: {  	_ =	shalt  }
0x4a: {  	_ =	shalt  }
0x4b: {  	_ =	shalt  }
0x4c: {  	_ =	shalt  }
0x4d: {  	_ =	shalt  }
0x4e: {  	_ =	shalt  }
0x4f: {  	_ =	shalt  }
0x50: {  	_ =	shalt  }
0x51: {  	_ =	shalt  }
0x52: {  	_ =	shalt  }
0x53: {  	_ =	shalt  }
0x54: {  	_ =	shalt  }
0x55: {  	_ =	shalt  }
0x56: {  	_ =	shalt  }
0x57: {  	_ =	shalt  }
0x58: {  	_ =	shalt  }
0x59: {  	_ =	shalt  }
0x5a: {  	_ =	shalt  }
0x5b: {  	_ =	shalt  }
0x5c: {  	_ =	shalt  }
0x5d: {  	_ =	shalt  }
0x5e: {  	_ =	shalt  }
0x5f: {  	_ =	shalt  }
0x60: {  	_ =	shalt  }
0x61: {  	_ =	shalt  }
0x62: {  	_ =	shalt  }
0x63: {  	_ =	shalt  }
0x64: {  	_ =	shalt  }
0x65: {  	_ =	shalt  }
0x66: {  	_ =	shalt  }
0x67: {  	_ =	shalt  }
0x68: {  	_ =	shalt  }
0x69: {  	_ =	shalt  }
0x6a: {  	_ =	shalt  }
0x6b: {  	_ =	shalt  }
0x6c: {  	_ =	shalt  }
0x6d: {  	_ =	shalt  }
0x6e: {  	_ =	shalt  }
0x6f: {  	_ =	shalt  }
0x70: {  	_ =	shalt  }
0x71: {  	_ =	shalt  }
0x72: {  	_ =	shalt  }
0x73: {  	_ =	shalt  }
0x74: {  	_ =	shalt  }
0x75: {  	_ =	shalt  }
0x76: {  	_ =	shalt  }
0x77: {  	_ =	shalt  }
0x78: {  	_ =	shalt  }
0x79: {  	_ =	shalt  }
0x7a: {  	_ =	shalt  }
0x7b: {  	_ =	shalt  }
0x7c: {  	_ =	shalt  }
0x7d: {  	_ =	shalt  }
0x7e: {  	_ =	shalt  }
0x7f: {  	_ =	shalt  }
0x80: {  	_ =	shalt  }
0x81: {  	_ =	shalt  }
0x82: {  	_ =	shalt  }
0x83: {  	_ =	shalt  }
0x84: {  	_ =	shalt  }
0x85: {  	_ =	shalt  }
0x86: {  	_ =	shalt  }
0x87: {  	_ =	shalt  }
.Lfunc_end0:
.L_simem_size_0:
called_computation.1_lowered:
.L_overlay_start_0:
0x88: {  	s2 =	sld [smem:$0x3FD9]  }
0x89: {  	s3 =	sld [smem:$0x3FFE];
	_ =	sdelay $0x1  }
0x8a: {  	s1 =	srdreg.scid  }
0x8b: {  	s0 =	sand.u32 $0x1, s1  }
0x8c: {  	s17 =	sshll.u32 s0, $0xA;
	s2 =	sadd.s32 s3, s2  }
0x8d: {  	s2 =	sadd.s32 s2, s17  }
0x8e: {  	[smem:$0x3FC6] =	sst s2  }
0x8f: {  	_ = 	snop  }
0x90: {  	s2 =	sld [smem:$0x3FD0];
	(tm) =	ssettm $0x1  }
0x91: {  	s18 =	sld [smem:$0x3FFB];
	_ =	sdelay $0x3  }
0x92: {  	_ =	strace s18  }
0x93: {  	s3 =	sld [smem:$0x3FFC];
	_ =	sdelay $0x3  }
0x94: {  	_ =	strace s3  }
0x95: {  	s3 =	sld [smem:$0x3FFD];
	_ =	sdelay $0x3  }
0x96: {  	_ =	strace s3  }
0x97: {  	_ =	strace $0x8FFFFFFF  }
0x98: {  	s19 =	sld [smem:$0x3FDB];
	_ =	sdelay $0x1  }
0x99: {  	s4 =	simm.s32 $_scs_section_size  }
0x9a: {  	s5 =	simm.s32 $_size__tile_overlayer_lowered;
	s6 =	simm.s32 $_tile_overlayer_lowered  }
0x9b: {  	s22 =	simm.s32 $0x1BFF;
	s21 =	sshll.u32 s6, $0x1;
	s3 =	sadd.s32 s4, s19  }
0x9c: {  	s7 =	simm.s32 $0x0;
	s20 =	sshll.u32 s5, $0x1;
	s5 =	sadd.s32 s21, s3  }
0x9d: {  	[timem:s7], [sflag:s22] =	dma.local [hbm:s5], s20  }
0x9e: {  	_ =	swait.ge [sflag:s22], s20  }
0x9f: {  	s4 =	ssub.s32 $0x0, s20;
	[sflag:s22] =	ssyncset.done $0x0  }
0xa0: {  	[sflag:s22] =	ssyncadd.s32 s4;
	_ =	sdelay $0x1  }
0xa1: {  	s23 =	simm.s32 $0x1B8B  }
0xa2: {  	_ =	swait.ge [sflag:s23], $0x1  }
0xa3: {  	[sflag:s23] =	ssyncset.done $0x0  }
0xa4: {  	s25 =	simm.s32 $0x1B8E;
	s24 =	sld [smem:$0x3FFE];
	[sflag:s23] =	ssyncadd.s32 $0xFFFFFFFF  }
0xa5: {  	s26 =	simm.s32 $execute0_lowered;
	[smem:$0x3FD2] =	sst s25  }
0xa6: {  	s5 =	sshll.u32 s26, $0x1;
	_ =	strace $0x80000049;
	[dreg:$0x1] =	wrdreg $0xFFFFFFFF  }
0xa7: {  	s28 =	simm.s32 $_size_execute0_lowered;
	s3 =	sadd.s32 s3, s5;
	[dreg:$0x0] =	wrdreg $0x0  }
0xa8: {  	s5 =	sshll.u32 s28, $0x1;
	[dreg:$0x2] =	wrdreg s3  }
0xa9: {  	[dreg:$0x3] =	wrdreg s5  }
0xaa: {  	[dreg:$0x4] =	wrdreg $0xC0  }
0xab: {  	_ =	task [dreg:s7], $0x5FFFF  }
0xac: {  	[dreg:$0x1] =	wrdreg $0xFFFFFFFF  }
0xad: {  	[dreg:$0x0] =	wrdreg $0x60  }
0xae: {  	[dreg:$0x2] =	wrdreg s2  }
0xaf: {  	[dreg:$0x3] =	wrdreg s24  }
0xb0: {  	[dreg:$0x4] =	wrdreg $0x9  }
0xb1: {  	_ =	task.clear_ibuf [dreg:s7], $0x5FFFF;
	_ =	strace $0x90000049  }
0xb2: {  	s29 =	simm.s32 $0x9;
	_ =	strace $0x8000004B  }
0xb3: {  	_ =	swait.ge [sflag:s29], $0x1  }
0xb4: {  	[sflag:s29] =	ssyncadd.s32 $0xFFFFFFFF  }
0xb5: {  	_ =	strace $0x9000004B  }
0xb6: {  	_ =	sfence  }
0xb7: {  	s30 =	sld [smem:$0x0];
	_ =	sdelay $0x2  }
0xb8: {  	s31 =	sshll.u32 s1, $0xD;
	s1 =	sshrl.u32 s1, $0x2  }
0xb9: {  	s3 =	sand.u32 $0x4000, s31;
	s1 =	sadd.s32 s1, s30  }
0xba: {  	s0 =	sor.u32 s3, s0;
	s1 =	sshll.u32 s1, $0x11  }
0xbb: {  	s0 =	sor.u32 s1, s0  }
0xbc: {  	s0 =	sadd.s32 $0x8F2B, s0  }
0xbd: {  	[sflag:s0] =	ssyncadd.remote.s32 $0x1  }
0xbe: {  	_ =	sfence.sel $0xFFFF  }
0xbf: {  	[dreg:$0x0] =	wrdreg $0xFFFFFFFF;
	(pc) =	sbr.abs _section_cstart, $3  }
0xc0: {  	[dreg:$0x1] =	wrdreg $0xFFFFFFFF  }
0xc1: {  	_ =	task.clear_ibuf [dreg:s7], $0x2FFFF;
	_ =	strace $0x9FFFFFFF  }
0xc2: {  	(tm) =	ssettm $0x7FFFFFFF  }
0xc3: {  	_ =	shalt  }
tec
execute0_lowered:
.L_overlay_start_1:
0x0: {  	(tag) =	ssettag $0x1  }
0x1: {  	s0 =	srdreg.scid;
	s1 =	rddreg [dreg:$0x0]  }
0x2: {  	s11 =	stileid.u32;
	s4 =	rddreg [dreg:$0x1];
	s2 =	simm.s32 $0x0  }
0x3: {  	s13 =	simm.s32 $0x80;
	s14 =	simm.s32 $0xC80;
	s15 =	simm.s32 $0x48  }
0x4: {  	s18 =	simm.s32 $0x9E0;
	s19 =	simm.s32 $0x14880;
	s28 =	simm.s32 $0xAF0  }
0x5: {  	s29 =	simm.s32 $0x16A80;
	s30 =	simm.s32 $0x17A80;
	s8 =	smul.u32 $0x32000, s11  }
0x6: {  	s0 =	sand.u32 $0x1, s0;
	s3 =	sshll.u32 s11, $0xA;
	s20 =	smul.u32 $0x640000, s11  }
0x7: {  	[smem:$0x7FF] =	sst s2;
	s5 =	sshll.u32 s0, $0x9;
	s10 =	smul.u32 $0x19000, s0  }
0x8: {  	s7 =	ssub.s32 $0x2, s0;
	s0 =	smul.u32 $0x320000, s0;
	s3 =	sor.u32 s5, s3  }
0x9: {  	s31 =	simm.s32 $0xBB8;
	_ =	strace $0x8000004A;
	s5 =	smul.u32 $0x19, s3  }
0xa: {  	s9 =	sshrl.u32 s7, $0x1;
	s6 =	smul.u32 $0x1900, s3;
	s3 =	sadd.s32 $0xF42E00, s4  }
0xb: {  	s4 =	sadd.s32 $0xA00, s4;
	s7 =	ssub.s32 s7, s9;
	s10 =	sadd.s32 s10, s8  }
0xc: {  	s0 =	sadd.s32 s0, s20;
	s20 =	simm.s32 $0xA28;
	s22 =	sor.u32 $0xC80, s10  }
0xd: {  	s23 =	smax.u32 s7, $0x1;
	s24 =	sshrl.u32 s0, $0x3;
	s25 =	sor.u32 $0x640, s10  }
0xe: {  	s0 =	sadd.s32 $0xFFFF3800, s0;
	s10 =	simm.s32 $0x0;
	[dreg:$0x5] =	wrdreg s23  }
0xf: {  	s6 =	sshrl.u32 s6, $0x3;
	s5 =	sadd.s32 s1, s5;
	[dreg:$0x7] =	wrdreg s0  }
0x10: {  	s26 =	sshrl.u32 s25, $0x3;
	s23 =	simm.s32 $0x3;
	s25 =	simm.s32 $0xAA8  }
0x11: {  	s0 =	simm.s32 $0xC38;
	s6 =	sadd.s32 s4, s6;
	[dreg:$0x3] =	wrdreg s5  }
.Ltmp0:
0x12: {  	s5 =	sshrl.u32 s22, $0x3;
	s11 =	sadd.s32 s26, s1;
	(pc) =	sbr.rel .LBB2_1-.Ltmp0, $4  }
0x13: {  	s22 =	simm.s32 $0x640;
	s26 =	simm.s32 $0x16180;
	s21 =	sadd.s32 $0x62700, s6  }
0x14: {  	s8 =	sadd.s32 s5, s1;
	s5 =	sadd.s32 s24, s4;
	s24 =	simm.s32 $0xB70  }
0x15: {  	s1 =	simm.s32 $0x18380;
	s6 =	simm.s32 $0x1;
	[dreg:$0x4] =	wrdreg s21  }
0x16: {  	[dreg:$0x6] =	wrdreg s5;
	s21 =	simm.s32 $0x15180;
	s5 =	simm.s32 $0x19380  }
.LBB2_4:
0x17: {  	s7 =	simm.s32 $0x2  }
0x18: {  	_ =	swait.ge [sflag:s7], $0xC800  }
0x19: {  	s9 =	simm.s32 $0xD480;
	[sflag:s7] =	ssyncset.done $0x0  }
0x1a: {  	s12 =	simm.s32 $0x4;
	s10 =	rddreg [dreg:$0x4];
	[sflag:s7] =	ssyncadd.s32 $0xFFFF3800  }
0x1b: {  	[hbm4b:s10+s2] =	stream.linear.scatter [tilespmem:s9], [sflag:$0x5], $0xC800, $0x38;
	[tilespmem:$0x19C80] =	vst v63  }
0x1c: {  	_ =	swait.ge [sflag:s12], $0xC800  }
0x1d: {  	[sflag:s12] =	ssyncset.done $0x0  }
0x1e: {  	s16 =	simm.s32 $0x5;
	[sflag:s12] =	ssyncadd.s32 $0xFFFF3800  }
0x1f: {  	_ =	swait.ge [sflag:s16], $0xC800  }
0x20: {  	s10 =	rddreg [dreg:$0x8]  }
0x21: {  	s17 =	rddreg [dreg:$0x5];
	s10 =	sadd.s32 $0x1, s10  }
0x22: {  	p0 =	sne.s32 s10, s17  }
.Ltmp1:
0x23: {  	_ = 	snop;
	(pc) =	sbr.rel @!p0 .LBB2_5-.Ltmp1, $3  }
0x24: {  	_ =	sdelay $0x1  }
0x25: {  	[sflag:s16] =	ssyncset.done $0x0  }
0x26: {  	[sflag:s16] =	ssyncadd.s32 $0xFFFF3800  }
.LBB2_1:
0x27: {  	[dreg:$0x8] =	wrdreg s10  }
0x28: {  	s7 =	rddreg [dreg:$0x3];
	s17 =	simm.s32 $0x6  }
0x29: {  	[tilespmem:s2], [sflag:$0x6] =	stream.linear.gather [hbm4b:s7+s2], $0x640, $0x38;
	[tilespmem:$0x19C80] =	vst v63  }
0x2a: {  	_ =	swait.ge [sflag:s17], $0x640  }
0x2b: {  	[sflag:s17] =	ssyncset.done $0x0;
	s7 =	rddreg [dreg:$0x7]  }
0x2c: {  	s10 =	simm.s32 $0x0;
	s9 =	rddreg [dreg:$0x6];
	[sflag:s17] =	ssyncadd.s32 $0xFFFFF9C0  }
.LBB2_2:
0x2d: {  	p0 =	seq.s32 s10, $0x0  }
0x2e: {  	s12 =	simm.s32 @!p0 $0x3  }
0x2f: {  	_ =	swait.ge @!p0 [sflag:s12], $0x640  }
0x30: {  	[sflag:s12] =	ssyncset.done @!p0 $0x0  }
0x31: {  	[sflag:s12] =	ssyncadd.s32 @!p0 $0xFFFFF9C0;
	s12 =	simm.s32 @!p0 $0x4  }
0x32: {  	_ =	swait.ge @!p0 [sflag:s12], $0xC800  }
0x33: {  	[sflag:s12] =	ssyncset.done @!p0 $0x0  }
0x34: {  	[sflag:s12] =	ssyncadd.s32 @!p0 $0xFFFF3800  }
0x35: {  	[tilespmem:s14], [sflag:$0x1] =	stream.indirect.gather [hbm4b:s3+s13], $0x20, s2, s13, $0xb8;
	[tilespmem:$0x19C80] =	vst v63  }
0x36: {  	s16 =	simm.s32 $0x1C80  }
0x37: {  	[tilespmem:s16], [sflag:$0x1] =	stream.indirect.gather [hbm4b:s3+s15], $0x20, s13, s15, $0xb8;
	[tilespmem:$0x19C80] =	vst v63  }
0x38: {  	s17 =	simm.s32 $0xC8;
	s16 =	simm.s32 $0x2580  }
0x39: {  	[tilespmem:s16], [sflag:$0x1] =	stream.indirect.gather [hbm4b:s3+s13], $0x20, s17, s13, $0xb8;
	[tilespmem:$0x19C80] =	vst v63  }
0x3a: {  	s16 =	simm.s32 $0x148;
	s17 =	simm.s32 $0x3580  }
0x3b: {  	[tilespmem:s17], [sflag:$0x1] =	stream.indirect.gather [hbm4b:s3+s15], $0x20, s16, s15, $0xb8;
	[tilespmem:$0x19C80] =	vst v63  }
0x3c: {  	s16 =	simm.s32 $0x190;
	s17 =	simm.s32 $0x3E80  }
0x3d: {  	[tilespmem:s17], [sflag:$0x1] =	stream.indirect.gather [hbm4b:s3+s13], $0x20, s16, s13, $0xb8;
	[tilespmem:$0x19C80] =	vst v63  }
0x3e: {  	s16 =	simm.s32 $0x210;
	s17 =	simm.s32 $0x4E80  }
0x3f: {  	[tilespmem:s17], [sflag:$0x1] =	stream.indirect.gather [hbm4b:s3+s15], $0x20, s16, s15, $0xb8;
	[tilespmem:$0x19C80] =	vst v63  }
0x40: {  	s16 =	simm.s32 $0x258;
	s17 =	simm.s32 $0x5780  }
0x41: {  	[tilespmem:s17], [sflag:$0x1] =	stream.indirect.gather [hbm4b:s3+s13], $0x20, s16, s13, $0xb8;
	[tilespmem:$0x19C80] =	vst v63  }
0x42: {  	s16 =	simm.s32 $0x2D8;
	s17 =	simm.s32 $0x6780  }
0x43: {  	[tilespmem:s17], [sflag:$0x1] =	stream.indirect.gather [hbm4b:s3+s15], $0x20, s16, s15, $0xb8;
	[tilespmem:$0x19C80] =	vst v63  }
0x44: {  	s16 =	simm.s32 $0x320;
	s17 =	simm.s32 $0x7080  }
0x45: {  	[tilespmem:s17], [sflag:$0x1] =	stream.indirect.gather [hbm4b:s3+s13], $0x20, s16, s13, $0xb8;
	[tilespmem:$0x19C80] =	vst v63  }
0x46: {  	s16 =	simm.s32 $0x3A0;
	s17 =	simm.s32 $0x8080  }
0x47: {  	[tilespmem:s17], [sflag:$0x1] =	stream.indirect.gather [hbm4b:s3+s15], $0x20, s16, s15, $0xb8;
	[tilespmem:$0x19C80] =	vst v63  }
0x48: {  	s16 =	simm.s32 $0x3E8;
	s17 =	simm.s32 $0x8980  }
0x49: {  	[tilespmem:s17], [sflag:$0x1] =	stream.indirect.gather [hbm4b:s3+s13], $0x20, s16, s13, $0xb8;
	[tilespmem:$0x19C80] =	vst v63  }
0x4a: {  	s16 =	simm.s32 $0x468;
	s17 =	simm.s32 $0x9980  }
0x4b: {  	[tilespmem:s17], [sflag:$0x1] =	stream.indirect.gather [hbm4b:s3+s15], $0x20, s16, s15, $0xb8;
	[tilespmem:$0x19C80] =	vst v63  }
0x4c: {  	s16 =	simm.s32 $0x4B0;
	s17 =	simm.s32 $0xA280  }
0x4d: {  	[tilespmem:s17], [sflag:$0x1] =	stream.indirect.gather [hbm4b:s3+s13], $0x20, s16, s13, $0xb8;
	[tilespmem:$0x19C80] =	vst v63  }
0x4e: {  	s16 =	simm.s32 $0x530;
	s17 =	simm.s32 $0xB280  }
0x4f: {  	[tilespmem:s17], [sflag:$0x1] =	stream.indirect.gather [hbm4b:s3+s15], $0x20, s16, s15, $0xb8;
	[tilespmem:$0x19C80] =	vst v63  }
0x50: {  	s16 =	simm.s32 $0x578;
	s17 =	simm.s32 $0xBB80  }
0x51: {  	[tilespmem:s17], [sflag:$0x1] =	stream.indirect.gather [hbm4b:s3+s13], $0x20, s16, s13, $0xb8;
	[tilespmem:$0x19C80] =	vst v63  }
0x52: {  	s12 =	simm.s32 @!p0 $0x2;
	s16 =	simm.s32 $0x5F8;
	s17 =	simm.s32 $0xCB80  }
0x53: {  	[tilespmem:s17], [sflag:$0x1] =	stream.indirect.gather [hbm4b:s3+s15], $0x20, s16, s15, $0xb8;
	[tilespmem:$0x19C80] =	vst v63  }
0x54: {  	_ =	swait.ge @!p0 [sflag:s12], $0xC800  }
0x55: {  	[sflag:s12] =	ssyncset.done @!p0 $0x0  }
0x56: {  	[sflag:s12] =	ssyncadd.s32 @!p0 $0xFFFF3800;
	s12 =	sshrl.u32 @!p0 s7, $0x3  }
0x57: {  	s16 =	simm.s32 @!p0 $0x0;
	s17 =	simm.s32 @!p0 $0xD480;
	s12 =	sadd.s32 @!p0 s4, s12  }
0x58: {  	[hbm4b:s12+s16] =	stream.linear.scatter @!p0 [tilespmem:s17], [sflag:$0x5], $0xC800, $0x38;
	[tilespmem:$0x19C80] =	vst v63  }
0x59: {  	s16 =	sadd.s32 s10, s11  }
0x5a: {  	[tilespmem:s22], [sflag:$0x3] =	stream.linear.gather [hbm4b:s16+s2], $0x640, $0x38;
	[tilespmem:$0x19C80] =	vst v63  }
0x5b: {  	_ =	swait.ge [sflag:s23], $0x640  }
0x5c: {  	[sflag:s23] =	ssyncset.done $0x0  }
0x5d: {  	s12 =	simm.s32 @!p0 $0x5;
	[sflag:s23] =	ssyncadd.s32 $0xFFFFF9C0  }
0x5e: {  	_ =	swait.ge @!p0 [sflag:s12], $0xC800  }
0x5f: {  	[sflag:s12] =	ssyncset.done @!p0 $0x0  }
0x60: {  	s17 =	simm.s32 $0xD480;
	[sflag:s12] =	ssyncadd.s32 @!p0 $0xFFFF3800  }
0x61: {  	[tilespmem:s17], [sflag:$0x2] =	stream.indirect.gather [hbm4b:s3+s13], $0x20, s22, s13, $0xb8;
	[tilespmem:$0x19C80] =	vst v63  }
0x62: {  	s16 =	simm.s32 $0x6C0;
	s17 =	simm.s32 $0xE480  }
0x63: {  	[tilespmem:s17], [sflag:$0x2] =	stream.indirect.gather [hbm4b:s3+s15], $0x20, s16, s15, $0xb8;
	[tilespmem:$0x19C80] =	vst v63  }
0x64: {  	s16 =	simm.s32 $0x708;
	s17 =	simm.s32 $0xED80  }
0x65: {  	[tilespmem:s17], [sflag:$0x2] =	stream.indirect.gather [hbm4b:s3+s13], $0x20, s16, s13, $0xb8;
	[tilespmem:$0x19C80] =	vst v63  }
0x66: {  	s16 =	simm.s32 $0x788;
	s17 =	simm.s32 $0xFD80  }
0x67: {  	[tilespmem:s17], [sflag:$0x2] =	stream.indirect.gather [hbm4b:s3+s15], $0x20, s16, s15, $0xb8;
	[tilespmem:$0x19C80] =	vst v63  }
0x68: {  	s16 =	simm.s32 $0x7D0;
	s17 =	simm.s32 $0x10680  }
0x69: {  	[tilespmem:s17], [sflag:$0x2] =	stream.indirect.gather [hbm4b:s3+s13], $0x20, s16, s13, $0xb8;
	[tilespmem:$0x19C80] =	vst v63  }
0x6a: {  	s16 =	simm.s32 $0x850;
	s17 =	simm.s32 $0x11680  }
0x6b: {  	[tilespmem:s17], [sflag:$0x2] =	stream.indirect.gather [hbm4b:s3+s15], $0x20, s16, s15, $0xb8;
	[tilespmem:$0x19C80] =	vst v63  }
0x6c: {  	s16 =	simm.s32 $0x898;
	s17 =	simm.s32 $0x11F80  }
0x6d: {  	[tilespmem:s17], [sflag:$0x2] =	stream.indirect.gather [hbm4b:s3+s13], $0x20, s16, s13, $0xb8;
	[tilespmem:$0x19C80] =	vst v63  }
0x6e: {  	s16 =	simm.s32 $0x918;
	s17 =	simm.s32 $0x12F80  }
0x6f: {  	[tilespmem:s17], [sflag:$0x2] =	stream.indirect.gather [hbm4b:s3+s15], $0x20, s16, s15, $0xb8;
	[tilespmem:$0x19C80] =	vst v63  }
0x70: {  	s16 =	simm.s32 $0x960;
	s17 =	simm.s32 $0x13880  }
0x71: {  	[tilespmem:s17], [sflag:$0x2] =	stream.indirect.gather [hbm4b:s3+s13], $0x20, s16, s13, $0xb8;
	[tilespmem:$0x19C80] =	vst v63  }
0x72: {  	_ = 	snop  }
0x73: {  	[tilespmem:s19], [sflag:$0x2] =	stream.indirect.gather [hbm4b:s3+s15], $0x20, s18, s15, $0xb8;
	[tilespmem:$0x19C80] =	vst v63  }
0x74: {  	_ = 	snop  }
0x75: {  	[tilespmem:s21], [sflag:$0x2] =	stream.indirect.gather [hbm4b:s3+s13], $0x20, s20, s13, $0xb8;
	[tilespmem:$0x19C80] =	vst v63  }
0x76: {  	_ = 	snop  }
0x77: {  	[tilespmem:s26], [sflag:$0x2] =	stream.indirect.gather [hbm4b:s3+s15], $0x20, s25, s15, $0xb8;
	[tilespmem:$0x19C80] =	vst v63  }
0x78: {  	_ = 	snop  }
0x79: {  	[tilespmem:s29], [sflag:$0x2] =	stream.indirect.gather [hbm4b:s3+s13], $0x20, s28, s13, $0xb8;
	[tilespmem:$0x19C80] =	vst v63  }
0x7a: {  	_ = 	snop  }
0x7b: {  	[tilespmem:s30], [sflag:$0x2] =	stream.indirect.gather [hbm4b:s3+s15], $0x20, s24, s15, $0xb8;
	[tilespmem:$0x19C80] =	vst v63  }
0x7c: {  	_ = 	snop  }
0x7d: {  	[tilespmem:s1], [sflag:$0x2] =	stream.indirect.gather [hbm4b:s3+s13], $0x20, s31, s13, $0xb8;
	[tilespmem:$0x19C80] =	vst v63  }
0x7e: {  	p0 =	seq.s32 s10, $0x3070  }
0x7f: {  	[tilespmem:s5], [sflag:$0x2] =	stream.indirect.gather [hbm4b:s3+s15], $0x20, s0, s15, $0xb8;
	[tilespmem:$0x19C80] =	vst v63  }
.Ltmp2:
0x80: {  	_ = 	snop;
	(pc) =	sbr.rel @p0 .LBB2_4-.Ltmp2, $4  }
0x81: {  	_ =	swait.ge [sflag:s6], $0xC800  }
0x82: {  	[sflag:s6] =	ssyncset.done $0x0  }
0x83: {  	[sflag:s6] =	ssyncadd.s32 $0xFFFF3800  }
0x84: {  	[hbm4b:s9+s2] =	stream.linear.scatter [tilespmem:s14], [sflag:$0x4], $0xC800, $0x38;
	[tilespmem:$0x19C80] =	vst v63  }
.Ltmp3:
0x85: {  	(pc) =	sbr.rel .LBB2_2-.Ltmp3, $4  }
0x86: {  	_ = 	snop  }
0x87: {  	s12 =	sadd.s32 s10, s8  }
0x88: {  	s10 =	sadd.s32 $0x190, s10;
	s9 =	sadd.s32 $0x3200, s9;
	s7 =	sadd.s32 $0x19000, s7  }
0x89: {  	[tilespmem:s2], [sflag:$0x3] =	stream.linear.gather [hbm4b:s12+s2], $0x640, $0x38;
	[tilespmem:$0x19C80] =	vst v63  }
.LBB2_5:
0x8a: {  	_ =	sfence.sel $0x180000  }
0x8b: {  	[bflag:$0x0] =	sbarrier.arrive $0xFFFF  }
0x8c: {  	_ =	strace $0x9000004A  }
0x8d: {  	s0 =	stileid.u32;
	[bflag:$0x2] =	sbarrier.arrive $0xFFFF  }
0x8e: {  	p0 =	sne.s32 s0, $0x0;
	s0 =	rddreg [dreg:$0x2]  }
0x8f: {  	s0 =	sadd.s32 @!p0 $0x100000, s0  }
0x90: {  	[sflag:s0] =	ssyncadd.tile.s32 @!p0 $0x1;
	_ =	shalt  }
.Lfunc_end2:
_tile_overlayer_lowered:
.L_overlay_start_2:
0x91: {  	(tag) =	ssettag $0x2  }
0x92: {  	s0 =	rddreg [dreg:$0x0];
	s2 =	stileid.u32  }
0x93: {  	s1 =	rddreg [dreg:$0x1];
	p0 =	sne.s32 s2, $0x0  }
0x94: {  	s3 =	rddreg [dreg:$0x2];
	[bflag:$0x3] =	sbarrier.arrive $0xFFFF;
	s2 =	simm.s32 @!p0 $0x1C06  }
0x95: {  	[timem:s3], [sflag:s2] =	dma.local @!p0 [hbm:s0], s1  }
0x96: {  	s0 =	simm.s32 @!p0 $0x6  }
0x97: {  	_ =	swait.ge @!p0 [sflag:s0], s1  }
0x98: {  	s1 =	ssub.s32 @!p0 $0x0, s1;
	[sflag:s0] =	ssyncset.done @!p0 $0x0  }
0x99: {  	[sflag:s0] =	ssyncadd.s32 @!p0 s1  }
0x9a: {  	[bflag:$0x3] =	sbarrier.arrive $0xFFFF  }
0x9b: {  	_ =	shalt  }

// kernel: sparse-core-data-format-call.cloned.1.call-start
scs
called_computation_lowered:
.L_overlay_start_0:
0x0: {  	s2 =	sld [smem:$0x3FD9]  }
0x1: {  	s3 =	sld [smem:$0x3FFE];
	_ =	sdelay $0x1  }
0x2: {  	s1 =	srdreg.scid  }
0x3: {  	s0 =	sand.u32 $0x1, s1  }
0x4: {  	s18 =	sshll.u32 s0, $0xA;
	s2 =	sadd.s32 s3, s2  }
0x5: {  	s2 =	sadd.s32 s2, s18  }
0x6: {  	[smem:$0x3FC6] =	sst s2  }
0x7: {  	_ = 	snop  }
0x8: {  	s2 =	sld [smem:$0x3FC8];
	(tm) =	ssettm $0x1  }
0x9: {  	s19 =	sld [smem:$0x3FFB];
	_ =	sdelay $0x3  }
0xa: {  	_ =	strace s19  }
0xb: {  	s3 =	sld [smem:$0x3FFC];
	_ =	sdelay $0x3  }
0xc: {  	_ =	strace s3  }
0xd: {  	s3 =	sld [smem:$0x3FFD];
	_ =	sdelay $0x3  }
0xe: {  	_ =	strace s3  }
0xf: {  	_ =	strace $0x8FFFFFFF  }
0x10: {  	s20 =	sld [smem:$0x3FDB];
	_ =	sdelay $0x1  }
0x11: {  	s4 =	simm.s32 $_scs_section_size  }
0x12: {  	s5 =	simm.s32 $_size__tile_overlayer_lowered;
	s6 =	simm.s32 $_tile_overlayer_lowered  }
0x13: {  	s23 =	simm.s32 $0x1BFF;
	s22 =	sshll.u32 s6, $0x1;
	s3 =	sadd.s32 s4, s20  }
0x14: {  	s7 =	simm.s32 $0x0;
	s21 =	sshll.u32 s5, $0x1;
	s5 =	sadd.s32 s22, s3  }
0x15: {  	[timem:s7], [sflag:s23] =	dma.local [hbm:s5], s21  }
0x16: {  	_ =	swait.ge [sflag:s23], s21  }
0x17: {  	s4 =	ssub.s32 $0x0, s21;
	[sflag:s23] =	ssyncset.done $0x0  }
0x18: {  	[sflag:s23] =	ssyncadd.s32 s4;
	_ =	sdelay $0x1  }
0x19: {  	s24 =	simm.s32 $0x1B8B  }
0x1a: {  	_ =	swait.ge [sflag:s24], $0x1  }
0x1b: {  	[sflag:s24] =	ssyncset.done $0x0  }
0x1c: {  	s26 =	simm.s32 $0x1B8E;
	s25 =	sld [smem:$0x3FFE];
	[sflag:s24] =	ssyncadd.s32 $0xFFFFFFFF  }
0x1d: {  	s27 =	simm.s32 $execute0_lowered;
	[smem:$0x3FD2] =	sst s26  }
0x1e: {  	s5 =	sshll.u32 s27, $0x1;
	_ =	strace $0x80000046;
	[dreg:$0x1] =	wrdreg $0xFFFFFFFF  }
0x1f: {  	s28 =	simm.s32 $_size_execute0_lowered;
	s3 =	sadd.s32 s3, s5;
	[dreg:$0x0] =	wrdreg $0x0  }
0x20: {  	s5 =	sshll.u32 s28, $0x1;
	[dreg:$0x2] =	wrdreg s3  }
0x21: {  	[dreg:$0x3] =	wrdreg s5  }
0x22: {  	[dreg:$0x4] =	wrdreg $0xC0  }
0x23: {  	_ =	task [dreg:s7], $0x5FFFF  }
0x24: {  	[dreg:$0x1] =	wrdreg $0xFFFFFFFF  }
0x25: {  	[dreg:$0x0] =	wrdreg $0x60  }
0x26: {  	[dreg:$0x2] =	wrdreg s2  }
0x27: {  	[dreg:$0x3] =	wrdreg s25  }
0x28: {  	[dreg:$0x4] =	wrdreg $0x9  }
0x29: {  	_ =	task.clear_ibuf [dreg:s7], $0x5FFFF;
	_ =	strace $0x90000046  }
0x2a: {  	s29 =	simm.s32 $0x9;
	_ =	strace $0x80000048  }
0x2b: {  	_ =	swait.ge [sflag:s29], $0x1  }
0x2c: {  	[sflag:s29] =	ssyncadd.s32 $0xFFFFFFFF  }
0x2d: {  	_ =	strace $0x90000048  }
0x2e: {  	_ =	sfence  }
0x2f: {  	s30 =	sld [smem:$0x0];
	_ =	sdelay $0x2  }
0x30: {  	s31 =	sshll.u32 s1, $0xD;
	s1 =	sshrl.u32 s1, $0x2  }
0x31: {  	s3 =	sand.u32 $0x4000, s31;
	s1 =	sadd.s32 s1, s30  }
0x32: {  	s0 =	sor.u32 s3, s0;
	s1 =	sshll.u32 s1, $0x11  }
0x33: {  	s0 =	sor.u32 s1, s0  }
0x34: {  	s0 =	sadd.s32 $0x8F2B, s0  }
0x35: {  	[sflag:s0] =	ssyncadd.remote.s32 $0x1  }
0x36: {  	_ =	sfence.sel $0xFFFF  }
0x37: {  	[dreg:$0x0] =	wrdreg $0xFFFFFFFF;
	(pc) =	sbr.abs _section_cstart, $3  }
0x38: {  	[dreg:$0x1] =	wrdreg $0xFFFFFFFF  }
0x39: {  	_ =	task.clear_ibuf [dreg:s7], $0x2FFFF;
	_ =	strace $0x9FFFFFFF  }
0x3a: {  	(tm) =	ssettm $0x7FFFFFFF  }
0x3b: {  	_ =	shalt  }
tec
execute0_lowered:
.L_overlay_start_1:
0x0: {  	(tag) =	ssettag $0x1  }
0x1: {  	s0 =	srdreg.scid;
	s2 =	rddreg [dreg:$0x0]  }
0x2: {  	s5 =	rddreg [dreg:$0x1];
	s1 =	stileid.u32  }
0x3: {  	s4 =	simm.s32 $0x1;
	s6 =	simm.s32 $0x2;
	s15 =	simm.s32 $0x0  }
0x4: {  	p0 =	por $0x0, $0x0;
	s8 =	simm.s32 $0x80;
	s0 =	sshll.u32 s0, $0x4  }
0x5: {  	s14 =	simm.s32 $0x0;
	s9 =	simm.s32 $0x0;
	s3 =	sand.u32 $0x10, s0  }
.Ltmp0:
0x6: {  	s10 =	simm.s32 $0x0;
	s3 =	sor.u32 s1, s3;
	(pc) =	sbr.rel .LBB1_1-.Ltmp0, $4  }
0x7: {  	s0 =	rddreg [dreg:$0x2];
	_ =	strace $0x80000047;
	s3 =	sshll.u32 s3, $0x7  }
0x8: {  	s12 =	simm.s32 $0x0;
	[sflag:s4] =	ssyncpa.u1 $0x0;
	s7 =	ssub.s32 $0xF4200, s3  }
0x9: {  	s13 =	simm.s32 $0x0;
	[sflag:s6] =	ssyncpa.u1 $0x0;
	s6 =	sshrl.u32 s7, $0xC  }
0xa: {  	s5 =	sadd.s32 $0xA00, s5;
	s11 =	smov.u32 s3;
	s7 =	sadd.s32 $0x2, s6  }
.LBB1_5:
0xb: {  	p1 =	slt.u32 s13, $0x2  }
0xc: {  	s17 =	smov.u32 s15;
	p2 =	sgt.s32 @!p1 s15, $0xF41C0;
	s16 =	sshra.s32 @!p1 s15, $0x1F  }
0xd: {  	p3 =	sgt.s32 @!p1 s14, $0x60;
	s18 =	sshra.s32 @!p1 s14, $0x1F;
	p2 =	por !p2, p1  }
0xe: {  	s15 =	sand.u32 @!p1 s16, s15;
	p3 =	por !p3, p1;
	s16 =	smov.u32 s14  }
0xf: {  	s14 =	sand.u32 @!p1 s18, s14;
	s17 =	simm.s32 @p2 $0xF41C0;
	s16 =	simm.s32 @p3 $0x60  }
0x10: {  	s15 =	ssub.s32 @!p1 s17, s15;
	s14 =	ssub.s32 @!p1 s16, s14  }
0x11: {  	s18 =	smov.u32 s12;
	s16 =	sadd.s32 @!p1 $0xFFF0BE40, s15;
	s17 =	sadd.s32 @!p1 $0xFFFFFFA0, s14  }
0x12: {  	s15 =	ssub.s32 @!p1 $0xF4240, s15;
	p2 =	sgt.s32 @!p1 s16, $0x7F;
	p3 =	sgt.s32 @!p1 s17, $0x1F  }
0x13: {  	s14 =	ssub.s32 @!p1 $0x80, s14;
	p2 =	por !p2, p1;
	p3 =	por !p3, p1  }
0x14: {  	s16 =	sadd.s32 $0x1000, s11;
	s15 =	simm.s32 @!p2 $0x0;
	s14 =	simm.s32 @!p3 $0x0  }
0x15: {  	p2 =	sgt.s32 s16, $0xF423F;
	s14 =	smul.u32 @!p1 s14, s15;
	s15 =	sadd.s32 $0x20, s12  }
0x16: {  	s18 =	smov.u32 @p2 s15  }
0x17: {  	s16 =	smov.u32 @p2 s3;
	p2 =	sgt.s32 s18, $0x1F  }
0x18: {  	s18 =	simm.s32 @p2 $0x0;
	p2 =	sne.s32 s13, s7  }
.Ltmp1:
0x19: {  	p0 =	por !p0, !p0;
	s17 =	simm.s32 @!p1 $0x2;
	(pc) =	sbr.rel @!p2 .LBB1_6-.Ltmp1, $4  }
0x1a: {  	s15 =	smov.u32 s9;
	s9 =	smov.u32 s11;
	s14 =	sand.u32 @!p1 $0x3FFFFFFF, s14  }
0x1b: {  	s11 =	smov.u32 s16;
	_ =	swait.ge @!p1 [sflag:s17], s14;
	s19 =	ssub.s32 @!p1 $0x0, s14  }
0x1c: {  	s14 =	smov.u32 s10;
	s13 =	sadd.s32 $0x1, s13;
	[sflag:s17] =	ssyncset.done @!p1 $0x0  }
0x1d: {  	s10 =	smov.u32 s12;
	s12 =	smov.u32 s18;
	[sflag:s17] =	ssyncadd.s32 @!p1 s19  }
.LBB1_1:
0x1e: {  	p1 =	sgt.u32 s13, s6  }
0x1f: {  	s16 =	sshrl.u32 @!p1 s12, $0x3  }
0x20: {  	s17 =	sshll.u32 @!p1 s11, $0x3;
	s16 =	smul.u32 @!p1 $0x7A1400, s16  }
0x21: {  	s18 =	sshll.u32 @!p1 s12, $0x7;
	s17 =	sand.u32 @!p1 $0xFFFFFC00, s17  }
0x22: {  	s16 =	sadd.s32 @!p1 s16, s17;
	s17 =	sand.u32 @!p1 $0x380, s18  }
0x23: {  	s18 =	sand.u32 @!p1 $0x7F, s11;
	s16 =	sor.u32 @!p1 s17, s16  }
0x24: {  	s17 =	sor.u32 @!p1 s18, s16  }
0x25: {  	s18 =	smulhi.u32 @!p1 $0x218D6287, s17;
	_ =	sdelay $0x1  }
0x26: {  	s16 =	smulhi.u32 @!p1 $0x218D6287, s16;
	s18 =	sshrl.u32 @!p1 s18, $0x11  }
0x27: {  	s18 =	smul.u32 @!p1 $0xF4280, s18  }
0x28: {  	s19 =	sxor.u32 @!p1 $0xFFFFFFFF, s13;
	s16 =	sshrl.u32 @!p1 s16, $0x11  }
0x29: {  	s19 =	sshll.u32 @!p1 s19, $0xC;
	s16 =	sand.u32 @!p1 $0x1F, s16;
	s17 =	ssub.s32 @!p1 s17, s18  }
0x2a: {  	s16 =	smul.u32 @!p1 $0x1E850, s16;
	s18 =	sshrl.u32 @!p1 s17, $0x3;
	s17 =	sand.u32 @!p1 $0x7, s17  }
0x2b: {  	s19 =	sand.u32 @!p1 $0x1000, s19;
	s18 =	sadd.s32 @!p1 s2, s18;
	s17 =	sshll.u32 @!p1 s17, $0x12  }
0x2c: {  	s16 =	sadd.s32 @!p1 s16, s18;
	s17 =	sor.u32 @!p1 $0x400, s17;
	s18 =	simm.s32 @!p1 $0x7A1400  }
0x2d: {  	[tilespmem:s19], [sflag:$0x1] =	stream.strided.gather @!p1 [hbm4b:s16+s17], $0x1000, s18, s17, $0x38;
	[tilespmem:$0x4100] =	vst v63  }
0x2e: {  	p1 =	seq.s32 s13, $0x0  }
0x2f: {  	p2 =	sge.u32 @!p1 s13, s7  }
0x30: {  	p1 =	por p1, p2  }
.Ltmp2:
0x31: {  	_ = 	snop;
	(pc) =	sbr.rel @p1 .LBB1_5-.Ltmp2, $1  }
0x32: {  	_ =	sdelay $0x3  }
0x33: {  	s16 =	simm.s32 $0x1  }
0x34: {  	_ =	swait.ge [sflag:s4], $0x1000;
	s16 =	simm.s32 @!p0 $0x0  }
0x35: {  	[sflag:s4] =	ssyncset.done $0x0;
	s17 =	sshll.u32 s16, $0xC  }
0x36: {  	[sflag:s4] =	ssyncadd.s32 $0xFFFFF000;
	s17 =	sor.u32 $0x40, s17  }
0x37: {  	s16 =	smul.u32 $0x4200, s16;
	v0 =	vld [tilespmem:s17+$0x30]  }
0x38: {  	v1 =	vld [tilespmem:s17+$0xFFFFFFD0]  }
0x39: {  	s16 =	sshrl.u32 s16, $0x2;
	v5 =	vld [tilespmem:s17+$0xFFFFFFE0]  }
0x3a: {  	v6 =	vld [tilespmem:s17+$0xFFFFFFF0];
	s19 =	sor.u32 $0x2000, s16  }
0x3b: {  	s31 =	sand.u32 $0x1, s13;
	v4 =	vld [tilespmem:s17+$0x0];
	s18 =	sadd.s32 $0x0, s19  }
0x3c: {  	v3 =	vld [tilespmem:s17+$0x10];
	s16 =	smul.u32 $0x4200, s31;
	[tilespmem:s18+$0xE70 ss:$0x21] =	vst.msk $0xffff, v0  }
0x3d: {  	v2 =	vld [tilespmem:s17+$0x20];
	[tilespmem:s18+$0x210 ss:$0x21] =	vst.msk $0xffff, v1  }
0x3e: {  	s16 =	sshrl.u32 s16, $0x2;
	v1 =	vld [tilespmem:s17+$0xFFFFFFC0];
	[tilespmem:s18+$0x420 ss:$0x21] =	vst.msk $0xffff, v5;
	s17 =	sadd.s32 $0x80, s17  }
0x3f: {  	s20 =	simm.s32 $0x4;
	s21 =	simm.s32 $0x8;
	s16 =	sor.u32 $0x2000, s16;
	[tilespmem:s18+$0x630 ss:$0x21] =	vst.msk $0xffff, v6;
	v0 =	vld [tilespmem:s17+$0x30]  }
.LBB1_3:
0x40: {  	p1 =	sne.s32 s21, $0x7C;
	v5 =	vld [tilespmem:s17+$0xFFFFFFD0];
	[tilespmem:s18+$0x840 ss:$0x21] =	vst.msk $0xffff, v4  }
0x41: {  	v6 =	vld [tilespmem:s17+$0xFFFFFFE0];
	[tilespmem:s18+$0xA50 ss:$0x21] =	vst.msk $0xffff, v3  }
0x42: {  	s22 =	sshra.s32 s20, $0x2;
	s20 =	smov.u32 s21;
	v7 =	vld [tilespmem:s17+$0xFFFFFFF0];
	[tilespmem:s18+$0xC60 ss:$0x21] =	vst.msk $0xffff, v2  }
.Ltmp3:
0x43: {  	v4 =	vld [tilespmem:s17+$0x0];
	[tilespmem:s18+$0x0 ss:$0x21] =	vst.msk $0xffff, v1;
	s18 =	sadd.s32 s22, s19;
	(pc) =	sbr.rel @p1 .LBB1_3-.Ltmp3, $4  }
0x44: {  	v3 =	vld [tilespmem:s17+$0x10];
	[tilespmem:s18+$0xE70 ss:$0x21] =	vst.msk $0xffff, v0  }
0x45: {  	[tilespmem:s18+$0x210 ss:$0x21] =	vst.msk $0xffff, v5;
	v2 =	vld [tilespmem:s17+$0x20]  }
0x46: {  	v1 =	vld [tilespmem:s17+$0xFFFFFFC0];
	[tilespmem:s18+$0x420 ss:$0x21] =	vst.msk $0xffff, v6;
	s17 =	sadd.s32 $0x80, s17  }
0x47: {  	s21 =	sadd.s32 $0x4, s21;
	v0 =	vld [tilespmem:s17+$0x30];
	[tilespmem:s18+$0x630 ss:$0x21] =	vst.msk $0xffff, v7  }
0x48: {  	s21 =	sshll.u32 s9, $0x7;
	s22 =	sshll.u32 s10, $0x3;
	s20 =	sshra.s32 s20, $0x2  }
0x49: {  	p1 =	sgt.s32 s9, $0xF41C0;
	s30 =	sshra.s32 s9, $0x1F;
	s25 =	sshra.s32 s10, $0x1F  }
0x4a: {  	v5 =	vld [tilespmem:s17+$0xFFFFFFD0];
	s28 =	sshrl.u32 s10, $0x3;
	s23 =	sand.u32 $0xFFFFFC00, s21;
	s22 =	sand.u32 $0xFFFFFC00, s22  }
0x4b: {  	[tilespmem:s18+$0x840 ss:$0x21] =	vst.msk $0xffff, v4;
	v58 =	vld [tilespmem:s17+$0xFFFFFFE0];
	s21 =	sand.u32 $0x380, s21;
	s19 =	sadd.s32 s20, s19;
	s22 =	sadd.s32 s22, s23  }
0x4c: {  	v59 =	vld [tilespmem:s17+$0xFFFFFFF0];
	[tilespmem:s18+$0xA50 ss:$0x21] =	vst.msk $0xffff, v3;
	s29 =	sor.u32 s21, s22;
	s21 =	smov.u32 s9;
	s22 =	sand.u32 s30, s9  }
0x4d: {  	v60 =	vld [tilespmem:s17+$0x0];
	[tilespmem:s18+$0xC60 ss:$0x21] =	vst.msk $0xffff, v2;
	s30 =	sand.u32 $0x7, s10;
	s20 =	sshrl.u32 s29, $0x7;
	s21 =	simm.s32 @!p1 $0xF41C0  }
0x4e: {  	v61 =	vld [tilespmem:s17+$0x10];
	[tilespmem:s18+$0x0 ss:$0x21] =	vst.msk $0xffff, v1;
	p1 =	sgt.s32 s10, $0x60;
	s24 =	ssub.s32 s21, s22;
	s21 =	smov.u32 s10  }
0x4f: {  	v62 =	vld [tilespmem:s17+$0x20];
	[tilespmem:s19+$0xE70 ss:$0x21] =	vst.msk $0xffff, v0;
	s31 =	smulhi.u32 $0x218DEF5, s20;
	s22 =	sand.u32 s25, s10;
	s21 =	simm.s32 @!p1 $0x60  }
0x50: {  	v63 =	vld [tilespmem:s17+$0xFFFFFFC0];
	[tilespmem:s19+$0x210 ss:$0x21] =	vst.msk $0xffff, v5;
	s26 =	sadd.s32 $0xFFF0BE40, s24;
	s17 =	ssub.s32 $0xF4240, s24;
	s21 =	ssub.s32 s21, s22  }
0x51: {  	[tilespmem:s19+$0x420 ss:$0x21] =	vst.msk $0xffff, v58;
	s23 =	sshrl.u32 s31, $0xD;
	p1 =	sgt.s32 s26, $0x7F;
	s27 =	sadd.s32 $0xFFFFFFA0, s21  }
0x52: {  	[tilespmem:s19+$0x630 ss:$0x21] =	vst.msk $0xffff, v59;
	s23 =	smul.u32 $0xF4240, s23;
	s18 =	ssub.s32 $0x80, s21;
	p2 =	sgt.s32 s27, $0x1F  }
.Ltmp4:
0x53: {  	[tilespmem:s19+$0x840 ss:$0x21] =	vst.msk $0xffff, v60;
	s17 =	simm.s32 @p1 $0x0;
	s18 =	simm.s32 @p2 $0x0;
	(pc) =	sbr.rel .LBB1_5-.Ltmp4, $4  }
0x54: {  	s29 =	sand.u32 $0xF, s28;
	[tilespmem:s19+$0xA50 ss:$0x21] =	vst.msk $0xffff, v61;
	s20 =	ssub.s32 s20, s23;
	s17 =	smul.u32 s18, s17  }
0x55: {  	[tilespmem:s19+$0xC60 ss:$0x21] =	vst.msk $0xffff, v62;
	s21 =	sshll.u32 s30, $0x12;
	s20 =	sshll.u32 s20, $0x4;
	s18 =	sadd.s32 s5, s29  }
0x56: {  	[tilespmem:s19+$0x0 ss:$0x21] =	vst.msk $0xffff, v63;
	s31 =	sor.u32 $0x20, s21;
	s18 =	sadd.s32 s20, s18;
	s17 =	sand.u32 $0x3FFFFFFF, s17  }
0x57: {  	[hbm4b:s18+s31] =	stream.strided.scatter [tilespmem:s16], [sflag:$0x2], s17, s8, s31, $0x10;
	[tilespmem:$0x4100] =	vst v63  }
.LBB1_6:
0x58: {  	_ =	sfence.sel $0x180000  }
0x59: {  	s2 =	simm.s32 $0x1;
	[bflag:$0x0] =	sbarrier.arrive $0xFFFF  }
0x5a: {  	s31 =	simm.s32 $0x2;
	[sflag:s2] =	ssyncpa.u1 $0x1  }
0x5b: {  	[sflag:s31] =	ssyncpa.u1 $0x1  }
0x5c: {  	p0 =	sne.s32 s1, $0x0;
	_ =	strace $0x90000047  }
0x5d: {  	s0 =	sadd.s32 @!p0 $0x100000, s0;
	[bflag:$0x2] =	sbarrier.arrive $0xFFFF  }
0x5e: {  	[sflag:s0] =	ssyncadd.tile.s32 @!p0 $0x1;
	_ =	shalt  }
.Lfunc_end1:
_tile_overlayer_lowered:
.L_overlay_start_2:
0x5f: {  	(tag) =	ssettag $0x2  }
0x60: {  	s0 =	rddreg [dreg:$0x0];
	s2 =	stileid.u32  }
0x61: {  	s1 =	rddreg [dreg:$0x1];
	p0 =	sne.s32 s2, $0x0  }
0x62: {  	s3 =	rddreg [dreg:$0x2];
	[bflag:$0x3] =	sbarrier.arrive $0xFFFF;
	s2 =	simm.s32 @!p0 $0x1C01  }
0x63: {  	[timem:s3], [sflag:s2] =	dma.local @!p0 [hbm:s0], s1  }
0x64: {  	s0 =	simm.s32 @!p0 $0x1  }
0x65: {  	_ =	swait.ge @!p0 [sflag:s0], s1  }
0x66: {  	s1 =	ssub.s32 @!p0 $0x0, s1;
	[sflag:s0] =	ssyncset.done @!p0 $0x0  }
0x67: {  	[sflag:s0] =	ssyncadd.s32 @!p0 s1  }
0x68: {  	[bflag:$0x3] =	sbarrier.arrive $0xFFFF  }
0x69: {  	_ =	shalt  }

</sc_bundles>
